<compile_context>
chip_gen: v7x
topology: tpu7x:2x2x1
jax: 0.10.2.dev20260603
libtpu: 0.0.44.dev20260713+nightly
codegen_flags: <defaults>
</compile_context>

<pallas_src>
import dataclasses

import jax
import jax.numpy as jnp
from jax import lax
from jax.experimental import pallas as pl
from jax.experimental.pallas import tpu as pltpu
from jax.experimental.pallas import tpu_sc as plsc

_N = 320000
_R = 10000
_H = 128
_B = 6400
_NB = _N // _B
_W = 128
_RP = 10240

_TILES = 32
_APT = _N // _TILES
_NV = _APT // 16
_G = 128
_SPLIT = 5120
_ACC_R = 5376
_TRASH = 5200
_APS = _ACC_R // 16
_TMAX = 80

_F32 = jnp.float32
_I32 = jnp.int32


def _sc_feat_body(feat_hbm, typ_hbm, seg_hbm, out_hbm,
                  typ_t, seg_t, idxca, seg_lo, seg_hi, rb0, rb1, zbuf, acc,
                  gsem0, gsem1, ssem0, ssem1):
    c = lax.axis_index("c")
    s = lax.axis_index("s")
    base = (c * 16 + s) * _APT

    pltpu.sync_copy(typ_hbm.at[pl.ds(base, _APT)], typ_t)
    pltpu.sync_copy(seg_hbm.at[pl.ds(base, _APT)], seg_t)

    @pl.loop(0, 16)
    def _zb(i):
        @pl.loop(0, _H, step=16)
        def _zl(l):
            zbuf[i, pl.ds(l, 16)] = jnp.zeros((16,), _F32)

    @pl.loop(0, _TMAX * _G, step=16)
    def _pf(i):
        idxca[pl.ds(i, 16)] = jnp.zeros((16,), _I32)

    @pl.loop(0, _TMAX)
    def _pf2(r):
        @pl.loop(0, _G, step=16)
        def _pf2c(l):
            seg_lo[r, pl.ds(l, 16)] = jnp.full((16,), _TRASH, _I32)
            seg_hi[r, pl.ds(l, 16)] = jnp.full((16,), _TRASH, _I32)

    iota16 = lax.broadcasted_iota(_I32, (16,), 0)

    def comp_body(i, carry):
        off, off_lo = carry
        tv = typ_t[pl.ds(i * 16, 16)]
        sv = seg_t[pl.ds(i * 16, 16)]
        m = tv == 1
        mi = m.astype(_I32)
        p = off + plsc.cumsum(mi) - 1
        pr = p // _G
        pc = p - pr * _G
        ivec = iota16 + (base + i * 16)
        in_lo = sv < _SPLIT
        svl = jnp.where(in_lo, sv, _TRASH)
        svh = jnp.where(in_lo, _TRASH, sv - _SPLIT)
        plsc.store_scatter(idxca, [p], ivec, mask=m)
        plsc.store_scatter(seg_lo, [pr, pc], svl, mask=m)
        plsc.store_scatter(seg_hi, [pr, pc], svh, mask=m)
        return off + jnp.sum(mi), off_lo + jnp.sum(mi * in_lo.astype(_I32))

    n, n_lo = lax.fori_loop(0, _NV, comp_body, (0, 0))
    trips = (n + (_G - 1)) // _G
    hi0 = (n_lo + (_G - 1)) // _G
    lo1 = n_lo // _G

    def make_pair(seg_buf):
        def pair(q, carry):
            j0 = 2 * q
            j1 = j0 + 1
            g0 = pltpu.async_copy(
                feat_hbm.at[idxca.at[pl.ds(j0 * _G, _G)]], rb0, gsem0)
            g1 = pltpu.async_copy(
                feat_hbm.at[idxca.at[pl.ds(j1 * _G, _G)]], rb1, gsem1)
            g0.wait()
            s0 = pltpu.async_copy(rb0, acc.at[seg_buf.at[j0]], ssem0,
                                  add=True)
            g1.wait()
            s1 = pltpu.async_copy(rb1, acc.at[seg_buf.at[j1]], ssem1,
                                  add=True)
            s0.wait()
            s1.wait()
            return carry
        return pair

    for p, seg_buf, q_lo, q_hi in ((0, seg_lo, 0, (hi0 + 1) // 2),
                                   (1, seg_hi, lo1 // 2, (trips + 1) // 2)):
        @pl.loop(0, _APS, step=16)
        def _za(k):
            pltpu.sync_copy(zbuf, acc.at[pl.ds(s * _APS + k, 16)])

        plsc.subcore_barrier()
        lax.fori_loop(q_lo, q_hi, make_pair(seg_buf), 0)
        plsc.subcore_barrier()

        pltpu.sync_copy(
            acc.at[pl.ds(s * _APS, _APS)],
            out_hbm.at[pl.ds((c * 2 + p) * _ACC_R + s * _APS, _APS)])


def _sc_feat(node_features, typ, seg):
    mesh = plsc.VectorSubcoreMesh(core_axis_name="c", subcore_axis_name="s")
    cp = pltpu.CompilerParams()
    if "needs_layout_passes" in pltpu.CompilerParams.__dataclass_fields__:
        cp = dataclasses.replace(cp, needs_layout_passes=False)
    return pl.kernel(
        _sc_feat_body,
        out_type=jax.ShapeDtypeStruct((4 * _ACC_R, _H), _F32),
        mesh=mesh,
        scratch_types=[
            pltpu.VMEM((_APT,), _I32),
            pltpu.VMEM((_APT,), _I32),
            pltpu.VMEM((_TMAX * _G,), _I32),
            pltpu.VMEM((_TMAX, _G), _I32),
            pltpu.VMEM((_TMAX, _G), _I32),
            pltpu.VMEM((_G, _H), _F32),
            pltpu.VMEM((_G, _H), _F32),
            pltpu.VMEM((16, _H), _F32),
            pltpu.VMEM_SHARED((_ACC_R, _H), _F32),
            pltpu.SemaphoreType.DMA,
            pltpu.SemaphoreType.DMA,
            pltpu.SemaphoreType.DMA,
            pltpu.SemaphoreType.DMA,
        ],
        compiler_params=cp,
    )(node_features, typ, seg)


def _small_body(seg_ref, tcol_ref, pos16_ref, outS_ref):
    b = pl.program_id(0)

    @pl.when(b == 0)
    def _init():
        outS_ref[...] = jnp.zeros_like(outS_ref)

    seg_row = seg_ref[0]
    tcol = tcol_ref[...]
    pos16 = pos16_ref[...]

    li = lax.broadcasted_iota(_I32, (1, 16), 1)
    sel = jnp.where(li < 3, 1,
          jnp.where(li < 6, 4,
          jnp.where(li == 6, 1,
          jnp.where(li == 8, 0,
          jnp.where(li == 9, 2,
          jnp.where(li == 10, 4, -1))))))
    c7 = (li == 7).astype(_F32)
    t16 = jnp.broadcast_to(tcol, (_B, 16))
    A = pos16 * (t16 == sel).astype(_F32) + c7

    s0 = seg_ref[0, 0, 0]
    sL = seg_ref[0, 0, _B - 1]
    c0 = (s0 // 8) * 8
    nch = (sL - c0) // _W + 1

    def chunk(c, carry):
        cstart = c0 + c * _W
        iw = lax.broadcasted_iota(_I32, (_W, _B), 0)
        ohf = ((seg_row - cstart) == iw).astype(_F32)
        outS_ref[pl.ds(cstart, _W), :] += jnp.dot(
            ohf, A, preferred_element_type=_F32)
        return carry

    lax.fori_loop(0, nch, chunk, 0)


def _comb_body(p_ref, s_ref, out_ref):
    inv = 1.0 / jnp.maximum(s_ref[:, 6:7], 1.0)
    nup = _RP - _SPLIT
    out_ref[0:_SPLIT, :] = ((p_ref[0, 0:_SPLIT, :] + p_ref[2, 0:_SPLIT, :])
                            * inv[0:_SPLIT])
    out_ref[_SPLIT:_RP, :] = ((p_ref[1, 0:nup, :] + p_ref[3, 0:nup, :])
                              * inv[_SPLIT:_RP])


def _epi_body(sT_ref, out_ref):
    def row(i):
        return sT_ref[i:i + 1, :]

    ca_cnt = row(6)
    inv_ca = 1.0 / jnp.maximum(ca_cnt, 1.0)
    cax = row(0) * inv_ca
    cay = row(1) * inv_ca
    caz = row(2) * inv_ca
    inv_cb = 1.0 / jnp.maximum(row(10), 1.0)
    cbx = row(3) * inv_cb
    cby = row(4) * inv_cb
    cbz = row(5) * inv_cb
    no_cb = (jnp.abs(cbx) + jnp.abs(cby) + jnp.abs(cbz)) < 1e-6
    cbx = jnp.where(no_cb, cax, cbx)
    cby = jnp.where(no_cb, cay, cby)
    cbz = jnp.where(no_cb, caz, cbz)

    e1x = cbx - cax
    e1y = cby - cay
    e1z = cbz - caz
    n1 = jnp.sqrt(e1x * e1x + e1y * e1y + e1z * e1z)
    d1 = jnp.maximum(n1, 1e-6)
    ux = e1x / d1
    uy = e1y / d1
    uz = e1z / d1
    n2a = jnp.sqrt(ux * ux + uy * uy)
    use_b = n2a < 1e-6
    e2x = jnp.where(use_b, -uz, uy)
    e2y = jnp.where(use_b, 0.0, -ux)
    e2z = jnp.where(use_b, ux, 0.0)
    n2 = jnp.sqrt(e2x * e2x + e2y * e2y + e2z * e2z)
    d2 = jnp.maximum(n2, 1e-6)
    vx = e2x / d2
    vy = e2y / d2
    vz = e2z / d2
    wx = uy * vz - uz * vy
    wy = uz * vx - ux * vz
    wz = ux * vy - uy * vx

    ridx = lax.broadcasted_iota(_I32, ca_cnt.shape, 1)
    valid = (n1 > 1e-6) & (n2 > 1e-6) & (ridx < _R - 1)

    one = jnp.ones_like(cax)
    zero = jnp.zeros_like(cax)
    built = (ux, vx, wx, uy, vy, wy, uz, vz, wz)
    eye = (one, zero, zero, zero, one, zero, zero, zero, one)
    for k in range(9):
        out_ref[k:k + 1, :] = jnp.where(valid, built[k], eye[k])

    mask = (row(7) >= 3.0) & (row(8) > 0.0) & (ca_cnt > 0.0) & (row(9) > 0.0)
    out_ref[9:10, :] = mask.astype(_F32)
    out_ref[10:11, :] = cax
    out_ref[11:12, :] = cay
    out_ref[12:13, :] = caz
    out_ref[13:14, :] = cbx
    out_ref[14:15, :] = cby
    out_ref[15:16, :] = cbz


def kernel(node_features, node_positions, atom_type_ids, segment_ids):
    seg = segment_ids.astype(_I32)
    typ = atom_type_ids.astype(_I32)
    seg3d = seg.reshape(_NB, 1, _B)
    typ_col = typ.reshape(_N, 1)
    ones10 = jnp.ones((_N, 10), dtype=_F32)
    pos16 = jnp.concatenate([node_positions, node_positions, ones10], axis=1)

    featsum2 = _sc_feat(node_features, typ, seg)

    outS = pl.pallas_call(
        _small_body,
        grid=(_NB,),
        in_specs=[
            pl.BlockSpec((1, 1, _B), lambda b: (b, 0, 0)),
            pl.BlockSpec((_B, 1), lambda b: (b, 0)),
            pl.BlockSpec((_B, 16), lambda b: (b, 0)),
        ],
        out_specs=pl.BlockSpec((_RP, 16), lambda b: (0, 0)),
        out_shape=jax.ShapeDtypeStruct((_RP, 16), _F32),
    )(seg3d, typ_col, pos16)

    outF = pl.pallas_call(
        _comb_body,
        out_shape=jax.ShapeDtypeStruct((_RP, _H), _F32),
    )(featsum2.reshape(4, _ACC_R, _H), outS)

    sT = outS.T
    outT = pl.pallas_call(
        _epi_body,
        out_shape=jax.ShapeDtypeStruct((16, _RP), _F32),
    )(sT)

    residue_features = outF[:_R]
    pos_CA = outT[10:13, :_R].T
    pos_CB = outT[13:16, :_R].T
    frames = outT[0:9, :_R].T.reshape(_R, 3, 3)
    residue_mask = outT[9, :_R] > 0.5
    return (residue_features, pos_CA, pos_CB, frames, segment_ids,
            residue_mask)

# --- scband reference (transcript-rebuilt; emitter-appended) ---
"""Pipeline reference for scband-geometric-gnn-24859270709373 (READ-ONLY COPY).

The authoritative reference and input builder live on the scoring server;
editing this copy changes nothing except your own understanding.
"""

import jax, jax.numpy as jnp
import numpy as np

N_ATOMS = 320000
NUM_RESIDUES = 10000
HIDDEN_DIM = 128


def setup_inputs(seed: int = 0):
    key = jax.random.key(seed)
    k1, k2, k3, k4 = jax.random.split(key, 4)
    node_features = jax.random.normal(k1, (N_ATOMS, HIDDEN_DIM), dtype=jnp.float32)
    node_positions = jax.random.normal(k2, (N_ATOMS, 3), dtype=jnp.float32) * 10.0
    atom_type_ids = jax.random.randint(k3, (N_ATOMS,), 0, 21)
    segment_ids = jnp.sort(jax.random.randint(k4, (N_ATOMS,), 0, NUM_RESIDUES))
    return {
        "node_features": node_features,
        "node_positions": node_positions,
        "atom_type_ids": atom_type_ids,
        "segment_ids": segment_ids,
    }


def _segment_mean(vals, mask_f, seg, num_segments):
    s = jax.ops.segment_sum(vals * mask_f, seg, num_segments=num_segments)
    c = jax.ops.segment_sum(mask_f, seg, num_segments=num_segments)
    return s / jnp.maximum(c, 1.0), c


def _build_frames(pos_CA, pos_CB):
    R = pos_CA.shape[0]
    e1 = pos_CB - pos_CA
    n1 = jnp.linalg.norm(e1, axis=1, keepdims=True)
    e1u = e1 / jnp.maximum(n1, 1e-6)
    z = jnp.array([0.0, 0.0, 1.0], dtype=pos_CA.dtype)
    y = jnp.array([0.0, 1.0, 0.0], dtype=pos_CA.dtype)
    e2a = jnp.cross(e1u, z[None, :])
    n2a = jnp.linalg.norm(e2a, axis=1, keepdims=True)
    e2b = jnp.cross(e1u, y[None, :])
    e2 = jnp.where(n2a < 1e-6, e2b, e2a)
    n2 = jnp.linalg.norm(e2, axis=1, keepdims=True)
    e2u = e2 / jnp.maximum(n2, 1e-6)
    e3 = jnp.cross(e1u, e2u)
    built = jnp.stack([e1u, e2u, e3], axis=2)
    idx = jnp.arange(R)
    valid = (n1[:, 0] > 1e-6) & (n2[:, 0] > 1e-6) & (idx < R - 1)
    eye = jnp.broadcast_to(jnp.eye(3, dtype=pos_CA.dtype), (R, 3, 3))
    return jnp.where(valid[:, None, None], built, eye)


def reference(node_features, node_positions, atom_type_ids, segment_ids):
    R = NUM_RESIDUES
    seg = segment_ids
    # atom_name2id: N=0, CA=1, C=2, O=3, CB=4, ...
    ca_m = (atom_type_ids == 1).astype(node_features.dtype)[:, None]
    cb_m = (atom_type_ids == 4).astype(node_features.dtype)[:, None]
    # residue features = mean of CA-atom features per residue (zeros if no CA)
    residue_features, ca_cnt = _segment_mean(node_features, ca_m, seg, R)
    # CA / CB positions scattered to residue slots
    pos_CA, _ = _segment_mean(node_positions, ca_m, seg, R)
    pos_CB, _ = _segment_mean(node_positions, cb_m, seg, R)
    no_cb = jnp.sum(jnp.abs(pos_CB), axis=1, keepdims=True) < 1e-6
    pos_CB = jnp.where(no_cb, pos_CA, pos_CB)
    frames = _build_frames(pos_CA, pos_CB)
    # residue completeness: >=3 atoms and contains N, CA, C
    ones = jnp.ones((node_features.shape[0],), dtype=jnp.float32)
    atom_cnt = jax.ops.segment_sum(ones, seg, num_segments=R)
    hasN = jax.ops.segment_max((atom_type_ids == 0).astype(jnp.float32), seg, num_segments=R) > 0
    hasCA = jax.ops.segment_max((atom_type_ids == 1).astype(jnp.float32), seg, num_segments=R) > 0
    hasC = jax.ops.segment_max((atom_type_ids == 2).astype(jnp.float32), seg, num_segments=R) > 0
    residue_mask = (atom_cnt >= 3) & hasN & hasCA & hasC
    return (residue_features, pos_CA, pos_CB, frames, segment_ids, residue_mask)

if __name__ == "__main__":
    import jax
    _d = setup_inputs()
    print(jax.jit(kernel)(*tuple(_d.values())))

</pallas_src>

<mosaic_0001>
#map = affine_map<(d0, d1) -> (0, 0)>
#map1 = affine_map<(d0, d1) -> (0)>
module attributes {stable_mosaic.version = 14 : i64} {
  func.func @_sc_feat_body(%arg0: i32, %arg1: i32, %arg2: memref<320000x128xf32, #tpu.memory_space<hbm>>, %arg3: memref<320000xi32, #tpu.memory_space<hbm>>, %arg4: memref<320000xi32, #tpu.memory_space<hbm>>, %arg5: memref<21504x128xf32, #tpu.memory_space<hbm>>, %arg6: memref<10000xi32, #tpu.memory_space<vmem>>, %arg7: memref<10000xi32, #tpu.memory_space<vmem>>, %arg8: memref<10240xi32, #tpu.memory_space<vmem>>, %arg9: memref<80x128xi32, #tpu.memory_space<vmem>>, %arg10: memref<80x128xi32, #tpu.memory_space<vmem>>, %arg11: memref<128x128xf32, #tpu.memory_space<vmem>>, %arg12: memref<128x128xf32, #tpu.memory_space<vmem>>, %arg13: memref<16x128xf32, #tpu.memory_space<vmem>>, %arg14: memref<5376x128xf32, #tpu.memory_space<vmem_shared>>, %arg15: memref<!tpu.dma_semaphore, #tpu.memory_space<semaphore_mem>>, %arg16: memref<!tpu.dma_semaphore, #tpu.memory_space<semaphore_mem>>, %arg17: memref<!tpu.dma_semaphore, #tpu.memory_space<semaphore_mem>>, %arg18: memref<!tpu.dma_semaphore, #tpu.memory_space<semaphore_mem>>) attributes {dimension_semantics = [#tpu.dimension_semantics<core_parallel>, #tpu.dimension_semantics<subcore_parallel>], iteration_bounds = array<i64: 2, 16>, scalar_prefetch = 0 : i64, scratch_operands = 13 : i64, tpu.core_type = #tpu.core_type<sc_vector_subcore>, window_params = [{transform_indices = #map}, {transform_indices = #map1}, {transform_indices = #map1}, {transform_indices = #map}]} {
    %mul3A = arith.constant 16 : i32
    %mul3A_0 = arith.muli %arg0, %mul3A : i32
    %add3A = arith.addi %mul3A_0, %arg1 : i32
    %mul3A_1 = arith.constant 10000 : i32
    %mul3A_2 = arith.muli %add3A, %mul3A_1 : i32
    "tpu.region"() ({
      %run_scoped3A = tpu.sem_alloc : memref<!tpu.dma_semaphore, #tpu.memory_space<semaphore_mem>>
      %dma_start3A = tpu.memref_slice %arg3[%mul3A_2] : memref<320000xi32, #tpu.memory_space<hbm>> -> memref<10000xi32, #tpu.memory_space<hbm>>
      %dma_start3A_222 = tpu.memref_slice %arg3[%mul3A_2] : memref<320000xi32, #tpu.memory_space<hbm>> -> memref<10000xi32, #tpu.memory_space<hbm>>
      tpu.enqueue_dma source(%dma_start3A_222 : memref<10000xi32, #tpu.memory_space<hbm>>) target(%arg6 : memref<10000xi32, #tpu.memory_space<vmem>>) target_semaphore(%run_scoped3A : memref<!tpu.dma_semaphore, #tpu.memory_space<semaphore_mem>>)
      %dma_wait3A = tpu.memref_slice %arg3[%mul3A_2] : memref<320000xi32, #tpu.memory_space<hbm>> -> memref<10000xi32, #tpu.memory_space<hbm>>
      %dma_wait3A_223 = tpu.memref_slice %arg3[%mul3A_2] : memref<320000xi32, #tpu.memory_space<hbm>> -> memref<10000xi32, #tpu.memory_space<hbm>>
      tpu.wait_dma2 semaphore(%run_scoped3A : memref<!tpu.dma_semaphore, #tpu.memory_space<semaphore_mem>>) src(%dma_wait3A_223 : memref<10000xi32, #tpu.memory_space<hbm>>) dst(%arg6 : memref<10000xi32, #tpu.memory_space<vmem>>)
      tpu.yield
    }) : () -> ()
    "tpu.region"() ({
      %run_scoped3A = tpu.sem_alloc : memref<!tpu.dma_semaphore, #tpu.memory_space<semaphore_mem>>
      %dma_start3A = tpu.memref_slice %arg4[%mul3A_2] : memref<320000xi32, #tpu.memory_space<hbm>> -> memref<10000xi32, #tpu.memory_space<hbm>>
      %dma_start3A_222 = tpu.memref_slice %arg4[%mul3A_2] : memref<320000xi32, #tpu.memory_space<hbm>> -> memref<10000xi32, #tpu.memory_space<hbm>>
      tpu.enqueue_dma source(%dma_start3A_222 : memref<10000xi32, #tpu.memory_space<hbm>>) target(%arg7 : memref<10000xi32, #tpu.memory_space<vmem>>) target_semaphore(%run_scoped3A : memref<!tpu.dma_semaphore, #tpu.memory_space<semaphore_mem>>)
      %dma_wait3A = tpu.memref_slice %arg4[%mul3A_2] : memref<320000xi32, #tpu.memory_space<hbm>> -> memref<10000xi32, #tpu.memory_space<hbm>>
      %dma_wait3A_223 = tpu.memref_slice %arg4[%mul3A_2] : memref<320000xi32, #tpu.memory_space<hbm>> -> memref<10000xi32, #tpu.memory_space<hbm>>
      tpu.wait_dma2 semaphore(%run_scoped3A : memref<!tpu.dma_semaphore, #tpu.memory_space<semaphore_mem>>) src(%dma_wait3A_223 : memref<10000xi32, #tpu.memory_space<hbm>>) dst(%arg7 : memref<10000xi32, #tpu.memory_space<vmem>>)
      tpu.yield
    }) : () -> ()
    %scan3A = arith.constant 0 : i32
    %scan3A_3 = arith.constant 16 : i32
    %scan3A_4 = arith.addi %scan3A, %scan3A_3 : i32
    %scan3A_5 = arith.constant 1 : i32
    scf.for %scan3A_222 = %scan3A to %scan3A_4 step %scan3A_5  : i32 {
      %mul3A_223 = arith.constant 1 : i32
      %mul3A_224 = arith.muli %scan3A_222, %mul3A_223 : i32
      %add3A_225 = arith.constant 0 : i32
      %add3A_226 = arith.addi %add3A_225, %mul3A_224 : i32
      %scan3A_227 = arith.constant 0 : i32
      %scan3A_228 = arith.constant 8 : i32
      %scan3A_229 = arith.addi %scan3A_227, %scan3A_228 : i32
      %scan3A_230 = arith.constant 1 : i32
      scf.for %scan3A_232 = %scan3A_227 to %scan3A_229 step %scan3A_230  : i32 {
        %mul3A_233 = arith.constant 16 : i32
        %mul3A_234 = arith.muli %scan3A_232, %mul3A_233 : i32
        %add3A_235 = arith.constant 0 : i32
        %add3A_236 = arith.addi %add3A_235, %mul3A_234 : i32
        %broadcast_in_dim3A = arith.constant 0.000000e+00 : f32
        %broadcast_in_dim3A_237 = vector.broadcast %broadcast_in_dim3A : f32 to vector<16xf32>
        %swap3A = arith.index_cast %add3A_226 : i32 to index
        %swap3A_238 = arith.index_cast %add3A_236 : i32 to index
        %swap3A_239 = tpu.vector_load %arg13[%swap3A, %swap3A_238] {strides = array<i32>} : memref<16x128xf32, #tpu.memory_space<vmem>>, vector<16xf32>,
        tpu.vector_store %arg13[%swap3A, %swap3A_238], %broadcast_in_dim3A_237 {strides = array<i32>} : memref<16x128xf32, #tpu.memory_space<vmem>>, vector<16xf32>,
      }
      %scan3A_231 = arith.constant 8 : i32
    }
    %scan3A_6 = arith.constant 16 : i32
    %scan3A_7 = arith.constant 0 : i32
    %scan3A_8 = arith.constant 640 : i32
    %scan3A_9 = arith.addi %scan3A_7, %scan3A_8 : i32
    %scan3A_10 = arith.constant 1 : i32
    scf.for %scan3A_222 = %scan3A_7 to %scan3A_9 step %scan3A_10  : i32 {
      %mul3A_223 = arith.constant 16 : i32
      %mul3A_224 = arith.muli %scan3A_222, %mul3A_223 : i32
      %add3A_225 = arith.constant 0 : i32
      %add3A_226 = arith.addi %add3A_225, %mul3A_224 : i32
      %broadcast_in_dim3A = arith.constant 0 : i32
      %broadcast_in_dim3A_227 = vector.broadcast %broadcast_in_dim3A : i32 to vector<16xi32>
      %swap3A = arith.index_cast %add3A_226 : i32 to index
      %swap3A_228 = tpu.vector_load %arg8[%swap3A] {strides = array<i32>} : memref<10240xi32, #tpu.memory_space<vmem>>, vector<16xi32>,
      tpu.vector_store %arg8[%swap3A], %broadcast_in_dim3A_227 {strides = array<i32>} : memref<10240xi32, #tpu.memory_space<vmem>>, vector<16xi32>,
    }
    %scan3A_11 = arith.constant 640 : i32
    %scan3A_12 = arith.constant 0 : i32
    %scan3A_13 = arith.constant 80 : i32
    %scan3A_14 = arith.addi %scan3A_12, %scan3A_13 : i32
    %scan3A_15 = arith.constant 1 : i32
    scf.for %scan3A_222 = %scan3A_12 to %scan3A_14 step %scan3A_15  : i32 {
      %mul3A_223 = arith.constant 1 : i32
      %mul3A_224 = arith.muli %scan3A_222, %mul3A_223 : i32
      %add3A_225 = arith.constant 0 : i32
      %add3A_226 = arith.addi %add3A_225, %mul3A_224 : i32
      %scan3A_227 = arith.constant 0 : i32
      %scan3A_228 = arith.constant 8 : i32
      %scan3A_229 = arith.addi %scan3A_227, %scan3A_228 : i32
      %scan3A_230 = arith.constant 1 : i32
      scf.for %scan3A_232 = %scan3A_227 to %scan3A_229 step %scan3A_230  : i32 {
        %mul3A_233 = arith.constant 16 : i32
        %mul3A_234 = arith.muli %scan3A_232, %mul3A_233 : i32
        %add3A_235 = arith.constant 0 : i32
        %add3A_236 = arith.addi %add3A_235, %mul3A_234 : i32
        %broadcast_in_dim3A = arith.constant 5200 : i32
        %broadcast_in_dim3A_237 = vector.broadcast %broadcast_in_dim3A : i32 to vector<16xi32>
        %swap3A = arith.index_cast %add3A_226 : i32 to index
        %swap3A_238 = arith.index_cast %add3A_236 : i32 to index
        %swap3A_239 = tpu.vector_load %arg9[%swap3A, %swap3A_238] {strides = array<i32>} : memref<80x128xi32, #tpu.memory_space<vmem>>, vector<16xi32>,
        tpu.vector_store %arg9[%swap3A, %swap3A_238], %broadcast_in_dim3A_237 {strides = array<i32>} : memref<80x128xi32, #tpu.memory_space<vmem>>, vector<16xi32>,
        %broadcast_in_dim3A_240 = arith.constant 5200 : i32
        %broadcast_in_dim3A_241 = vector.broadcast %broadcast_in_dim3A_240 : i32 to vector<16xi32>
        %swap3A_242 = arith.index_cast %add3A_226 : i32 to index
        %swap3A_243 = arith.index_cast %add3A_236 : i32 to index
        %swap3A_244 = tpu.vector_load %arg10[%swap3A_242, %swap3A_243] {strides = array<i32>} : memref<80x128xi32, #tpu.memory_space<vmem>>, vector<16xi32>,
        tpu.vector_store %arg10[%swap3A_242, %swap3A_243], %broadcast_in_dim3A_241 {strides = array<i32>} : memref<80x128xi32, #tpu.memory_space<vmem>>, vector<16xi32>,
      }
      %scan3A_231 = arith.constant 8 : i32
    }
    %scan3A_16 = arith.constant 80 : i32
    %iota3A = tpu.iota {dimensions = array<i32: 0>} : vector<16xi32>
    %scan3A_17 = arith.constant 0 : i32
    %scan3A_18 = arith.constant 0 : i32
    %scan3A_19 = arith.constant 0 : i32
    %scan3A_20 = arith.constant 625 : i32
    %scan3A_21 = arith.addi %scan3A_19, %scan3A_20 : i32
    %scan3A_22 = arith.constant 1 : i32
    %scan3A_23:2 = scf.for %scan3A_222 = %scan3A_19 to %scan3A_21 step %scan3A_22 iter_args(%scan3A_223 = %scan3A_17, %scan3A_224 = %scan3A_18) -> (i32, i32)  : i32 {
      %mul3A_225 = arith.constant 16 : i32
      %mul3A_226 = arith.muli %scan3A_222, %mul3A_225 : i32
      %get3A = arith.index_cast %mul3A_226 : i32 to index
      %get3A_227 = tpu.vector_load %arg6[%get3A] {strides = array<i32>} : memref<10000xi32, #tpu.memory_space<vmem>>, vector<16xi32>,
      %mul3A_228 = arith.constant 16 : i32
      %mul3A_229 = arith.muli %scan3A_222, %mul3A_228 : i32
      %get3A_230 = arith.index_cast %mul3A_229 : i32 to index
      %get3A_231 = tpu.vector_load %arg7[%get3A_230] {strides = array<i32>} : memref<10000xi32, #tpu.memory_space<vmem>>, vector<16xi32>,
      %eq3A = arith.constant 1 : i32
      %eq3A_232 = vector.broadcast %eq3A : i32 to vector<16xi32>
      %eq3A_233 = arith.cmpi eq, %get3A_227, %eq3A_232 : vector<16xi32>
      %convert_element_type3A = arith.extui %eq3A_233 : vector<16xi1> to vector<16xi32>
      %broadcast_in_dim3A = arith.constant true
      %broadcast_in_dim3A_234 = vector.broadcast %broadcast_in_dim3A : i1 to vector<16xi1>
      %masked_cumsum3A = tpu.scan <sum>, %convert_element_type3A masked %broadcast_in_dim3A_234 : vector<16xi32>, vector<16xi1> -> vector<16xi32>
      %add3A_235 = vector.broadcast %scan3A_223 : i32 to vector<16xi32>
      %add3A_236 = arith.addi %add3A_235, %masked_cumsum3A : vector<16xi32>
      %sub3A_237 = arith.constant 1 : i32
      %sub3A_238 = vector.broadcast %sub3A_237 : i32 to vector<16xi32>
      %sub3A_239 = arith.subi %add3A_236, %sub3A_238 : vector<16xi32>
      %jit3A_240 = arith.constant 128 : i32
      %div3A_241 = vector.broadcast %jit3A_240 : i32 to vector<16xi32>
      %div3A_242 = arith.divsi %sub3A_239, %div3A_241 : vector<16xi32>
      %sign3A_243 = arith.constant 0 : i32
      %sign3A_244 = vector.broadcast %sign3A_243 : i32 to vector<16xi32>
      %sign3A_245 = arith.cmpi sgt, %sub3A_239, %sign3A_244 : vector<16xi32>
      %sign3A_246 = arith.extui %sign3A_245 : vector<16xi1> to vector<16xi32>
      %sign3A_247 = arith.constant 0 : i32
      %sign3A_248 = vector.broadcast %sign3A_247 : i32 to vector<16xi32>
      %sign3A_249 = arith.cmpi slt, %sub3A_239, %sign3A_248 : vector<16xi32>
      %sign3A_250 = arith.extui %sign3A_249 : vector<16xi1> to vector<16xi32>
      %sign3A_251 = arith.subi %sign3A_246, %sign3A_250 : vector<16xi32>
      %sign3A_252 = arith.constant 0 : i32
      %sign3A_253 = arith.cmpi sgt, %jit3A_240, %sign3A_252 : i32
      %sign3A_254 = arith.extui %sign3A_253 : i1 to i32
      %sign3A_255 = arith.constant 0 : i32
      %sign3A_256 = arith.cmpi slt, %jit3A_240, %sign3A_255 : i32
      %sign3A_257 = arith.extui %sign3A_256 : i1 to i32
      %sign3A_258 = arith.subi %sign3A_254, %sign3A_257 : i32
      %ne3A_259 = vector.broadcast %sign3A_258 : i32 to vector<16xi32>
      %ne3A_260 = arith.cmpi ne, %sign3A_251, %ne3A_259 : vector<16xi32>
      %rem3A_261 = vector.broadcast %jit3A_240 : i32 to vector<16xi32>
      %rem3A_262 = arith.remsi %sub3A_239, %rem3A_261 : vector<16xi32>
      %ne3A_263 = arith.constant 0 : i32
      %ne3A_264 = vector.broadcast %ne3A_263 : i32 to vector<16xi32>
      %ne3A_265 = arith.cmpi ne, %rem3A_262, %ne3A_264 : vector<16xi32>
      %and3A_266 = arith.andi %ne3A_260, %ne3A_265 : vector<16xi1>
      %sub3A_267 = arith.constant 1 : i32
      %sub3A_268 = vector.broadcast %sub3A_267 : i32 to vector<16xi32>
      %sub3A_269 = arith.subi %div3A_242, %sub3A_268 : vector<16xi32>
      %select_n3A_270 = arith.select %and3A_266, %sub3A_269, %div3A_242 : vector<16xi1>, vector<16xi32>
      %mul3A_271 = arith.constant 128 : i32
      %mul3A_272 = vector.broadcast %mul3A_271 : i32 to vector<16xi32>
      %mul3A_273 = arith.muli %select_n3A_270, %mul3A_272 : vector<16xi32>
      %sub3A_274 = arith.subi %sub3A_239, %mul3A_273 : vector<16xi32>
      %mul3A_275 = arith.constant 16 : i32
      %mul3A_276 = arith.muli %scan3A_222, %mul3A_275 : i32
      %add3A_277 = arith.addi %mul3A_2, %mul3A_276 : i32
      %add3A_278 = vector.broadcast %add3A_277 : i32 to vector<16xi32>
      %add3A_279 = arith.addi %iota3A, %add3A_278 : vector<16xi32>
      %lt3A = arith.constant 5120 : i32
      %lt3A_280 = vector.broadcast %lt3A : i32 to vector<16xi32>
      %lt3A_281 = arith.cmpi slt, %get3A_231, %lt3A_280 : vector<16xi32>
      %jit3A_282 = arith.constant 5200 : i32
      %broadcast_in_dim3A_283 = vector.broadcast %jit3A_282 : i32 to vector<16xi32>
      %select_n3A_284 = arith.select %lt3A_281, %get3A_231, %broadcast_in_dim3A_283 : vector<16xi1>, vector<16xi32>
      %sub3A_285 = arith.constant 5120 : i32
      %sub3A_286 = vector.broadcast %sub3A_285 : i32 to vector<16xi32>
      %sub3A_287 = arith.subi %get3A_231, %sub3A_286 : vector<16xi32>
      %jit3A_288 = arith.constant 5200 : i32
      %broadcast_in_dim3A_289 = vector.broadcast %jit3A_288 : i32 to vector<16xi32>
      %select_n3A_290 = arith.select %lt3A_281, %broadcast_in_dim3A_289, %sub3A_287 : vector<16xi1>, vector<16xi32>
      tpu.vector_store_idx %arg8[%sub3A_239], %add3A_279 masked %eq3A_233 : memref<10240xi32, #tpu.memory_space<vmem>>[vector<16xi32>], vector<16xi32>, vector<16xi1>
      tpu.vector_store_idx %arg9[%select_n3A_270, %sub3A_274], %select_n3A_284 masked %eq3A_233 : memref<80x128xi32, #tpu.memory_space<vmem>>[vector<16xi32>, vector<16xi32>], vector<16xi32>, vector<16xi1>
      tpu.vector_store_idx %arg10[%select_n3A_270, %sub3A_274], %select_n3A_290 masked %eq3A_233 : memref<80x128xi32, #tpu.memory_space<vmem>>[vector<16xi32>, vector<16xi32>], vector<16xi32>, vector<16xi1>
      %reduce_sum3A = arith.constant true
      %reduce_sum3A_291 = vector.broadcast %reduce_sum3A : i1 to vector<16xi1>
      %reduce_sum3A_292 = tpu.scan <sum>, %convert_element_type3A masked %reduce_sum3A_291 : vector<16xi32>, vector<16xi1> -> vector<16xi32>
      %reduce_sum3A_293 = vector.extract %reduce_sum3A_292[15] : i32 from vector<16xi32>
      %add3A_294 = arith.addi %scan3A_223, %reduce_sum3A_293 : i32
      %convert_element_type3A_295 = arith.extui %lt3A_281 : vector<16xi1> to vector<16xi32>
      %mul3A_296 = arith.muli %convert_element_type3A, %convert_element_type3A_295 : vector<16xi32>
      %reduce_sum3A_297 = arith.constant true
      %reduce_sum3A_298 = vector.broadcast %reduce_sum3A_297 : i1 to vector<16xi1>
      %reduce_sum3A_299 = tpu.scan <sum>, %mul3A_296 masked %reduce_sum3A_298 : vector<16xi32>, vector<16xi1> -> vector<16xi32>
      %reduce_sum3A_300 = vector.extract %reduce_sum3A_299[15] : i32 from vector<16xi32>
      %add3A_301 = arith.addi %scan3A_224, %reduce_sum3A_300 : i32
      scf.yield %add3A_294, %add3A_301 : i32, i32
    }
    %scan3A_24 = arith.constant 625 : i32
    %add3A_25 = arith.constant 127 : i32
    %add3A_26 = arith.addi %scan3A_23#0, %add3A_25 : i32
    %jit3A = arith.constant 128 : i32
    %div3A = arith.divsi %add3A_26, %jit3A : i32
    %sign3A = arith.constant 0 : i32
    %sign3A_27 = arith.cmpi sgt, %add3A_26, %sign3A : i32
    %sign3A_28 = arith.extui %sign3A_27 : i1 to i32
    %sign3A_29 = arith.constant 0 : i32
    %sign3A_30 = arith.cmpi slt, %add3A_26, %sign3A_29 : i32
    %sign3A_31 = arith.extui %sign3A_30 : i1 to i32
    %sign3A_32 = arith.subi %sign3A_28, %sign3A_31 : i32
    %sign3A_33 = arith.constant 0 : i32
    %sign3A_34 = arith.cmpi sgt, %jit3A, %sign3A_33 : i32
    %sign3A_35 = arith.extui %sign3A_34 : i1 to i32
    %sign3A_36 = arith.constant 0 : i32
    %sign3A_37 = arith.cmpi slt, %jit3A, %sign3A_36 : i32
    %sign3A_38 = arith.extui %sign3A_37 : i1 to i32
    %sign3A_39 = arith.subi %sign3A_35, %sign3A_38 : i32
    %ne3A = arith.cmpi ne, %sign3A_32, %sign3A_39 : i32
    %rem3A = arith.remsi %add3A_26, %jit3A : i32
    %ne3A_40 = arith.constant 0 : i32
    %ne3A_41 = arith.cmpi ne, %rem3A, %ne3A_40 : i32
    %and3A = arith.andi %ne3A, %ne3A_41 : i1
    %sub3A = arith.constant 1 : i32
    %sub3A_42 = arith.subi %div3A, %sub3A : i32
    %select_n3A = arith.select %and3A, %sub3A_42, %div3A : i32
    %add3A_43 = arith.constant 127 : i32
    %add3A_44 = arith.addi %scan3A_23#1, %add3A_43 : i32
    %jit3A_45 = arith.constant 128 : i32
    %div3A_46 = arith.divsi %add3A_44, %jit3A_45 : i32
    %sign3A_47 = arith.constant 0 : i32
    %sign3A_48 = arith.cmpi sgt, %add3A_44, %sign3A_47 : i32
    %sign3A_49 = arith.extui %sign3A_48 : i1 to i32
    %sign3A_50 = arith.constant 0 : i32
    %sign3A_51 = arith.cmpi slt, %add3A_44, %sign3A_50 : i32
    %sign3A_52 = arith.extui %sign3A_51 : i1 to i32
    %sign3A_53 = arith.subi %sign3A_49, %sign3A_52 : i32
    %sign3A_54 = arith.constant 0 : i32
    %sign3A_55 = arith.cmpi sgt, %jit3A_45, %sign3A_54 : i32
    %sign3A_56 = arith.extui %sign3A_55 : i1 to i32
    %sign3A_57 = arith.constant 0 : i32
    %sign3A_58 = arith.cmpi slt, %jit3A_45, %sign3A_57 : i32
    %sign3A_59 = arith.extui %sign3A_58 : i1 to i32
    %sign3A_60 = arith.subi %sign3A_56, %sign3A_59 : i32
    %ne3A_61 = arith.cmpi ne, %sign3A_53, %sign3A_60 : i32
    %rem3A_62 = arith.remsi %add3A_44, %jit3A_45 : i32
    %ne3A_63 = arith.constant 0 : i32
    %ne3A_64 = arith.cmpi ne, %rem3A_62, %ne3A_63 : i32
    %and3A_65 = arith.andi %ne3A_61, %ne3A_64 : i1
    %sub3A_66 = arith.constant 1 : i32
    %sub3A_67 = arith.subi %div3A_46, %sub3A_66 : i32
    %select_n3A_68 = arith.select %and3A_65, %sub3A_67, %div3A_46 : i32
    %jit3A_69 = arith.constant 128 : i32
    %div3A_70 = arith.divsi %scan3A_23#1, %jit3A_69 : i32
    %sign3A_71 = arith.constant 0 : i32
    %sign3A_72 = arith.cmpi sgt, %scan3A_23#1, %sign3A_71 : i32
    %sign3A_73 = arith.extui %sign3A_72 : i1 to i32
    %sign3A_74 = arith.constant 0 : i32
    %sign3A_75 = arith.cmpi slt, %scan3A_23#1, %sign3A_74 : i32
    %sign3A_76 = arith.extui %sign3A_75 : i1 to i32
    %sign3A_77 = arith.subi %sign3A_73, %sign3A_76 : i32
    %sign3A_78 = arith.constant 0 : i32
    %sign3A_79 = arith.cmpi sgt, %jit3A_69, %sign3A_78 : i32
    %sign3A_80 = arith.extui %sign3A_79 : i1 to i32
    %sign3A_81 = arith.constant 0 : i32
    %sign3A_82 = arith.cmpi slt, %jit3A_69, %sign3A_81 : i32
    %sign3A_83 = arith.extui %sign3A_82 : i1 to i32
    %sign3A_84 = arith.subi %sign3A_80, %sign3A_83 : i32
    %ne3A_85 = arith.cmpi ne, %sign3A_77, %sign3A_84 : i32
    %rem3A_86 = arith.remsi %scan3A_23#1, %jit3A_69 : i32
    %ne3A_87 = arith.constant 0 : i32
    %ne3A_88 = arith.cmpi ne, %rem3A_86, %ne3A_87 : i32
    %and3A_89 = arith.andi %ne3A_85, %ne3A_88 : i1
    %sub3A_90 = arith.constant 1 : i32
    %sub3A_91 = arith.subi %div3A_70, %sub3A_90 : i32
    %select_n3A_92 = arith.select %and3A_89, %sub3A_91, %div3A_70 : i32
    %add3A_93 = arith.constant 1 : i32
    %add3A_94 = arith.addi %select_n3A_68, %add3A_93 : i32
    %jit3A_95 = arith.constant 2 : i32
    %div3A_96 = arith.divsi %add3A_94, %jit3A_95 : i32
    %sign3A_97 = arith.constant 0 : i32
    %sign3A_98 = arith.cmpi sgt, %add3A_94, %sign3A_97 : i32
    %sign3A_99 = arith.extui %sign3A_98 : i1 to i32
    %sign3A_100 = arith.constant 0 : i32
    %sign3A_101 = arith.cmpi slt, %add3A_94, %sign3A_100 : i32
    %sign3A_102 = arith.extui %sign3A_101 : i1 to i32
    %sign3A_103 = arith.subi %sign3A_99, %sign3A_102 : i32
    %sign3A_104 = arith.constant 0 : i32
    %sign3A_105 = arith.cmpi sgt, %jit3A_95, %sign3A_104 : i32
    %sign3A_106 = arith.extui %sign3A_105 : i1 to i32
    %sign3A_107 = arith.constant 0 : i32
    %sign3A_108 = arith.cmpi slt, %jit3A_95, %sign3A_107 : i32
    %sign3A_109 = arith.extui %sign3A_108 : i1 to i32
    %sign3A_110 = arith.subi %sign3A_106, %sign3A_109 : i32
    %ne3A_111 = arith.cmpi ne, %sign3A_103, %sign3A_110 : i32
    %rem3A_112 = arith.remsi %add3A_94, %jit3A_95 : i32
    %ne3A_113 = arith.constant 0 : i32
    %ne3A_114 = arith.cmpi ne, %rem3A_112, %ne3A_113 : i32
    %and3A_115 = arith.andi %ne3A_111, %ne3A_114 : i1
    %sub3A_116 = arith.constant 1 : i32
    %sub3A_117 = arith.subi %div3A_96, %sub3A_116 : i32
    %select_n3A_118 = arith.select %and3A_115, %sub3A_117, %div3A_96 : i32
    %jit3A_119 = arith.constant 2 : i32
    %div3A_120 = arith.divsi %select_n3A_92, %jit3A_119 : i32
    %sign3A_121 = arith.constant 0 : i32
    %sign3A_122 = arith.cmpi sgt, %select_n3A_92, %sign3A_121 : i32
    %sign3A_123 = arith.extui %sign3A_122 : i1 to i32
    %sign3A_124 = arith.constant 0 : i32
    %sign3A_125 = arith.cmpi slt, %select_n3A_92, %sign3A_124 : i32
    %sign3A_126 = arith.extui %sign3A_125 : i1 to i32
    %sign3A_127 = arith.subi %sign3A_123, %sign3A_126 : i32
    %sign3A_128 = arith.constant 0 : i32
    %sign3A_129 = arith.cmpi sgt, %jit3A_119, %sign3A_128 : i32
    %sign3A_130 = arith.extui %sign3A_129 : i1 to i32
    %sign3A_131 = arith.constant 0 : i32
    %sign3A_132 = arith.cmpi slt, %jit3A_119, %sign3A_131 : i32
    %sign3A_133 = arith.extui %sign3A_132 : i1 to i32
    %sign3A_134 = arith.subi %sign3A_130, %sign3A_133 : i32
    %ne3A_135 = arith.cmpi ne, %sign3A_127, %sign3A_134 : i32
    %rem3A_136 = arith.remsi %select_n3A_92, %jit3A_119 : i32
    %ne3A_137 = arith.constant 0 : i32
    %ne3A_138 = arith.cmpi ne, %rem3A_136, %ne3A_137 : i32
    %and3A_139 = arith.andi %ne3A_135, %ne3A_138 : i1
    %sub3A_140 = arith.constant 1 : i32
    %sub3A_141 = arith.subi %div3A_120, %sub3A_140 : i32
    %select_n3A_142 = arith.select %and3A_139, %sub3A_141, %div3A_120 : i32
    %add3A_143 = arith.constant 1 : i32
    %add3A_144 = arith.addi %select_n3A, %add3A_143 : i32
    %jit3A_145 = arith.constant 2 : i32
    %div3A_146 = arith.divsi %add3A_144, %jit3A_145 : i32
    %sign3A_147 = arith.constant 0 : i32
    %sign3A_148 = arith.cmpi sgt, %add3A_144, %sign3A_147 : i32
    %sign3A_149 = arith.extui %sign3A_148 : i1 to i32
    %sign3A_150 = arith.constant 0 : i32
    %sign3A_151 = arith.cmpi slt, %add3A_144, %sign3A_150 : i32
    %sign3A_152 = arith.extui %sign3A_151 : i1 to i32
    %sign3A_153 = arith.subi %sign3A_149, %sign3A_152 : i32
    %sign3A_154 = arith.constant 0 : i32
    %sign3A_155 = arith.cmpi sgt, %jit3A_145, %sign3A_154 : i32
    %sign3A_156 = arith.extui %sign3A_155 : i1 to i32
    %sign3A_157 = arith.constant 0 : i32
    %sign3A_158 = arith.cmpi slt, %jit3A_145, %sign3A_157 : i32
    %sign3A_159 = arith.extui %sign3A_158 : i1 to i32
    %sign3A_160 = arith.subi %sign3A_156, %sign3A_159 : i32
    %ne3A_161 = arith.cmpi ne, %sign3A_153, %sign3A_160 : i32
    %rem3A_162 = arith.remsi %add3A_144, %jit3A_145 : i32
    %ne3A_163 = arith.constant 0 : i32
    %ne3A_164 = arith.cmpi ne, %rem3A_162, %ne3A_163 : i32
    %and3A_165 = arith.andi %ne3A_161, %ne3A_164 : i1
    %sub3A_166 = arith.constant 1 : i32
    %sub3A_167 = arith.subi %div3A_146, %sub3A_166 : i32
    %select_n3A_168 = arith.select %and3A_165, %sub3A_167, %div3A_146 : i32
    %scan3A_169 = arith.constant 0 : i32
    %scan3A_170 = arith.constant 21 : i32
    %scan3A_171 = arith.addi %scan3A_169, %scan3A_170 : i32
    %scan3A_172 = arith.constant 1 : i32
    scf.for %scan3A_222 = %scan3A_169 to %scan3A_171 step %scan3A_172  : i32 {
      %mul3A_223 = arith.constant 16 : i32
      %mul3A_224 = arith.muli %scan3A_222, %mul3A_223 : i32
      %add3A_225 = arith.constant 0 : i32
      %add3A_226 = arith.addi %add3A_225, %mul3A_224 : i32
      %mul3A_227 = arith.constant 336 : i32
      %mul3A_228 = arith.muli %arg1, %mul3A_227 : i32
      %add3A_229 = arith.addi %mul3A_228, %add3A_226 : i32
      "tpu.region"() ({
        %run_scoped3A = tpu.sem_alloc : memref<!tpu.dma_semaphore, #tpu.memory_space<semaphore_mem>>
        %dma_start3A = arith.constant 0 : i32
        %dma_start3A_230 = tpu.memref_slice %arg14[%add3A_229, %dma_start3A] : memref<5376x128xf32, #tpu.memory_space<vmem_shared>> -> memref<16x128xf32, #tpu.memory_space<vmem_shared>>
        %dma_start3A_231 = arith.constant 0 : i32
        %dma_start3A_232 = tpu.memref_slice %arg14[%add3A_229, %dma_start3A_231] : memref<5376x128xf32, #tpu.memory_space<vmem_shared>> -> memref<16x128xf32, #tpu.memory_space<vmem_shared>>
        tpu.enqueue_dma source(%arg13 : memref<16x128xf32, #tpu.memory_space<vmem>>) target(%dma_start3A_232 : memref<16x128xf32, #tpu.memory_space<vmem_shared>>) target_semaphore(%run_scoped3A : memref<!tpu.dma_semaphore, #tpu.memory_space<semaphore_mem>>)
        %dma_wait3A = arith.constant 0 : i32
        %dma_wait3A_233 = tpu.memref_slice %arg14[%add3A_229, %dma_wait3A] : memref<5376x128xf32, #tpu.memory_space<vmem_shared>> -> memref<16x128xf32, #tpu.memory_space<vmem_shared>>
        %dma_wait3A_234 = arith.constant 0 : i32
        %dma_wait3A_235 = tpu.memref_slice %arg14[%add3A_229, %dma_wait3A_234] : memref<5376x128xf32, #tpu.memory_space<vmem_shared>> -> memref<16x128xf32, #tpu.memory_space<vmem_shared>>
        tpu.wait_dma2 semaphore(%run_scoped3A : memref<!tpu.dma_semaphore, #tpu.memory_space<semaphore_mem>>) src(%arg13 : memref<16x128xf32, #tpu.memory_space<vmem>>) dst(%dma_wait3A_235 : memref<16x128xf32, #tpu.memory_space<vmem_shared>>)
        tpu.yield
      }) : () -> ()
    }
    %scan3A_173 = arith.constant 21 : i32
    %barrier3A = arith.constant 0 : index
    tpu.barrier barrier_id(%barrier3A)
    %while3A = arith.constant 0 : i32
    %while3A_174 = arith.constant 0 : i32
    %while3A_175 = arith.subi %select_n3A_118, %while3A_174 : i32
    %while3A_176 = arith.addi %while3A_174, %while3A_175 : i32
    %while3A_177 = arith.constant 1 : i32
    %while3A_178 = arith.divsi %while3A_175, %while3A_177 : i32
    %while3A_179 = arith.muli %while3A_178, %while3A_177 : i32
    %while3A_180 = arith.addi %while3A_174, %while3A_179 : i32
    %while3A_181 = arith.constant 1 : i32
    scf.for %while3A_222 = %while3A_174 to %while3A_180 step %while3A_181  : i32 {
      %mul3A_223 = arith.constant 2 : i32
      %mul3A_224 = arith.muli %mul3A_223, %while3A_222 : i32
      %add3A_225 = arith.constant 1 : i32
      %add3A_226 = arith.addi %mul3A_224, %add3A_225 : i32
      %mul3A_227 = arith.constant 128 : i32
      %mul3A_228 = arith.muli %mul3A_224, %mul3A_227 : i32
      %dma_start3A = tpu.memref_slice %arg8[%mul3A_228] : memref<10240xi32, #tpu.memory_space<vmem>> -> memref<128xi32, #tpu.memory_space<vmem>>
      %dma_start3A_229 = arith.constant 0 : i32
      %dma_start3A_230 = arith.constant 0 : i32
      %dma_start3A_231 = tpu.memref_slice %arg2[%dma_start3A_229, %dma_start3A_230] : memref<320000x128xf32, #tpu.memory_space<hbm>> -> memref<320000x128xf32, #tpu.memory_space<hbm>>
      tpu.enqueue_indirect_dma source(%dma_start3A_231 : memref<320000x128xf32, #tpu.memory_space<hbm>>) target(%arg11 : memref<128x128xf32, #tpu.memory_space<vmem>>) offsets(%dma_start3A : memref<128xi32, #tpu.memory_space<vmem>>) semaphore(%arg15 : memref<!tpu.dma_semaphore, #tpu.memory_space<semaphore_mem>>)
      %mul3A_232 = arith.constant 128 : i32
      %mul3A_233 = arith.muli %add3A_226, %mul3A_232 : i32
      %dma_start3A_234 = tpu.memref_slice %arg8[%mul3A_233] : memref<10240xi32, #tpu.memory_space<vmem>> -> memref<128xi32, #tpu.memory_space<vmem>>
      %dma_start3A_235 = arith.constant 0 : i32
      %dma_start3A_236 = arith.constant 0 : i32
      %dma_start3A_237 = tpu.memref_slice %arg2[%dma_start3A_235, %dma_start3A_236] : memref<320000x128xf32, #tpu.memory_space<hbm>> -> memref<320000x128xf32, #tpu.memory_space<hbm>>
      tpu.enqueue_indirect_dma source(%dma_start3A_237 : memref<320000x128xf32, #tpu.memory_space<hbm>>) target(%arg12 : memref<128x128xf32, #tpu.memory_space<vmem>>) offsets(%dma_start3A_234 : memref<128xi32, #tpu.memory_space<vmem>>) semaphore(%arg16 : memref<!tpu.dma_semaphore, #tpu.memory_space<semaphore_mem>>)
      %dma_wait3A = tpu.memref_slice %arg8[%mul3A_228] : memref<10240xi32, #tpu.memory_space<vmem>> -> memref<128xi32, #tpu.memory_space<vmem>>
      %dma_wait3A_238 = arith.constant 0 : i32
      %dma_wait3A_239 = arith.constant 0 : i32
      %dma_wait3A_240 = tpu.memref_slice %arg2[%dma_wait3A_238, %dma_wait3A_239] : memref<320000x128xf32, #tpu.memory_space<hbm>> -> memref<320000x128xf32, #tpu.memory_space<hbm>>
      tpu.wait_indirect_dma semaphore(%arg15 : memref<!tpu.dma_semaphore, #tpu.memory_space<semaphore_mem>>) src(%dma_wait3A_240 : memref<320000x128xf32, #tpu.memory_space<hbm>>) dst(%arg11 : memref<128x128xf32, #tpu.memory_space<vmem>>)
      %dma_start3A_241 = arith.constant 0 : i32
      %dma_start3A_242 = tpu.memref_slice %arg9[%mul3A_224, %dma_start3A_241] : memref<80x128xi32, #tpu.memory_space<vmem>> -> memref<1x128xi32, #tpu.memory_space<vmem>>
      %dma_start3A_243 = tpu.memref_squeeze %dma_start3A_242 : memref<1x128xi32, #tpu.memory_space<vmem>> -> memref<128xi32, #tpu.memory_space<vmem>>
      %dma_start3A_244 = arith.constant 0 : i32
      %dma_start3A_245 = arith.constant 0 : i32
      %dma_start3A_246 = tpu.memref_slice %arg14[%dma_start3A_244, %dma_start3A_245] : memref<5376x128xf32, #tpu.memory_space<vmem_shared>> -> memref<5376x128xf32, #tpu.memory_space<vmem_shared>>
      tpu.enqueue_indirect_dma source(%arg11 : memref<128x128xf32, #tpu.memory_space<vmem>>) target(%dma_start3A_246 : memref<5376x128xf32, #tpu.memory_space<vmem_shared>>) offsets(%dma_start3A_243 : memref<128xi32, #tpu.memory_space<vmem>>) semaphore(%arg17 : memref<!tpu.dma_semaphore, #tpu.memory_space<semaphore_mem>>) {add = true}
      %dma_wait3A_247 = tpu.memref_slice %arg8[%mul3A_233] : memref<10240xi32, #tpu.memory_space<vmem>> -> memref<128xi32, #tpu.memory_space<vmem>>
      %dma_wait3A_248 = arith.constant 0 : i32
      %dma_wait3A_249 = arith.constant 0 : i32
      %dma_wait3A_250 = tpu.memref_slice %arg2[%dma_wait3A_248, %dma_wait3A_249] : memref<320000x128xf32, #tpu.memory_space<hbm>> -> memref<320000x128xf32, #tpu.memory_space<hbm>>
      tpu.wait_indirect_dma semaphore(%arg16 : memref<!tpu.dma_semaphore, #tpu.memory_space<semaphore_mem>>) src(%dma_wait3A_250 : memref<320000x128xf32, #tpu.memory_space<hbm>>) dst(%arg12 : memref<128x128xf32, #tpu.memory_space<vmem>>)
      %dma_start3A_251 = arith.constant 0 : i32
      %dma_start3A_252 = tpu.memref_slice %arg9[%add3A_226, %dma_start3A_251] : memref<80x128xi32, #tpu.memory_space<vmem>> -> memref<1x128xi32, #tpu.memory_space<vmem>>
      %dma_start3A_253 = tpu.memref_squeeze %dma_start3A_252 : memref<1x128xi32, #tpu.memory_space<vmem>> -> memref<128xi32, #tpu.memory_space<vmem>>
      %dma_start3A_254 = arith.constant 0 : i32
      %dma_start3A_255 = arith.constant 0 : i32
      %dma_start3A_256 = tpu.memref_slice %arg14[%dma_start3A_254, %dma_start3A_255] : memref<5376x128xf32, #tpu.memory_space<vmem_shared>> -> memref<5376x128xf32, #tpu.memory_space<vmem_shared>>
      tpu.enqueue_indirect_dma source(%arg12 : memref<128x128xf32, #tpu.memory_space<vmem>>) target(%dma_start3A_256 : memref<5376x128xf32, #tpu.memory_space<vmem_shared>>) offsets(%dma_start3A_253 : memref<128xi32, #tpu.memory_space<vmem>>) semaphore(%arg18 : memref<!tpu.dma_semaphore, #tpu.memory_space<semaphore_mem>>) {add = true}
      %dma_wait3A_257 = arith.constant 0 : i32
      %dma_wait3A_258 = tpu.memref_slice %arg9[%mul3A_224, %dma_wait3A_257] : memref<80x128xi32, #tpu.memory_space<vmem>> -> memref<1x128xi32, #tpu.memory_space<vmem>>
      %dma_wait3A_259 = tpu.memref_squeeze %dma_wait3A_258 : memref<1x128xi32, #tpu.memory_space<vmem>> -> memref<128xi32, #tpu.memory_space<vmem>>
      %dma_wait3A_260 = arith.constant 0 : i32
      %dma_wait3A_261 = arith.constant 0 : i32
      %dma_wait3A_262 = tpu.memref_slice %arg14[%dma_wait3A_260, %dma_wait3A_261] : memref<5376x128xf32, #tpu.memory_space<vmem_shared>> -> memref<5376x128xf32, #tpu.memory_space<vmem_shared>>
      tpu.wait_indirect_dma semaphore(%arg17 : memref<!tpu.dma_semaphore, #tpu.memory_space<semaphore_mem>>) src(%arg11 : memref<128x128xf32, #tpu.memory_space<vmem>>) dst(%dma_wait3A_262 : memref<5376x128xf32, #tpu.memory_space<vmem_shared>>)
      %dma_wait3A_263 = arith.constant 0 : i32
      %dma_wait3A_264 = tpu.memref_slice %arg9[%add3A_226, %dma_wait3A_263] : memref<80x128xi32, #tpu.memory_space<vmem>> -> memref<1x128xi32, #tpu.memory_space<vmem>>
      %dma_wait3A_265 = tpu.memref_squeeze %dma_wait3A_264 : memref<1x128xi32, #tpu.memory_space<vmem>> -> memref<128xi32, #tpu.memory_space<vmem>>
      %dma_wait3A_266 = arith.constant 0 : i32
      %dma_wait3A_267 = arith.constant 0 : i32
      %dma_wait3A_268 = tpu.memref_slice %arg14[%dma_wait3A_266, %dma_wait3A_267] : memref<5376x128xf32, #tpu.memory_space<vmem_shared>> -> memref<5376x128xf32, #tpu.memory_space<vmem_shared>>
      tpu.wait_indirect_dma semaphore(%arg18 : memref<!tpu.dma_semaphore, #tpu.memory_space<semaphore_mem>>) src(%arg12 : memref<128x128xf32, #tpu.memory_space<vmem>>) dst(%dma_wait3A_268 : memref<5376x128xf32, #tpu.memory_space<vmem_shared>>)
    }
    %while3A_182 = arith.constant 1 : i32
    scf.for %while3A_222 = %while3A_180 to %while3A_176 step %while3A_182  : i32 {
      %mul3A_223 = arith.constant 2 : i32
      %mul3A_224 = arith.muli %mul3A_223, %while3A_222 : i32
      %add3A_225 = arith.constant 1 : i32
      %add3A_226 = arith.addi %mul3A_224, %add3A_225 : i32
      %mul3A_227 = arith.constant 128 : i32
      %mul3A_228 = arith.muli %mul3A_224, %mul3A_227 : i32
      %dma_start3A = tpu.memref_slice %arg8[%mul3A_228] : memref<10240xi32, #tpu.memory_space<vmem>> -> memref<128xi32, #tpu.memory_space<vmem>>
      %dma_start3A_229 = arith.constant 0 : i32
      %dma_start3A_230 = arith.constant 0 : i32
      %dma_start3A_231 = tpu.memref_slice %arg2[%dma_start3A_229, %dma_start3A_230] : memref<320000x128xf32, #tpu.memory_space<hbm>> -> memref<320000x128xf32, #tpu.memory_space<hbm>>
      tpu.enqueue_indirect_dma source(%dma_start3A_231 : memref<320000x128xf32, #tpu.memory_space<hbm>>) target(%arg11 : memref<128x128xf32, #tpu.memory_space<vmem>>) offsets(%dma_start3A : memref<128xi32, #tpu.memory_space<vmem>>) semaphore(%arg15 : memref<!tpu.dma_semaphore, #tpu.memory_space<semaphore_mem>>)
      %mul3A_232 = arith.constant 128 : i32
      %mul3A_233 = arith.muli %add3A_226, %mul3A_232 : i32
      %dma_start3A_234 = tpu.memref_slice %arg8[%mul3A_233] : memref<10240xi32, #tpu.memory_space<vmem>> -> memref<128xi32, #tpu.memory_space<vmem>>
      %dma_start3A_235 = arith.constant 0 : i32
      %dma_start3A_236 = arith.constant 0 : i32
      %dma_start3A_237 = tpu.memref_slice %arg2[%dma_start3A_235, %dma_start3A_236] : memref<320000x128xf32, #tpu.memory_space<hbm>> -> memref<320000x128xf32, #tpu.memory_space<hbm>>
      tpu.enqueue_indirect_dma source(%dma_start3A_237 : memref<320000x128xf32, #tpu.memory_space<hbm>>) target(%arg12 : memref<128x128xf32, #tpu.memory_space<vmem>>) offsets(%dma_start3A_234 : memref<128xi32, #tpu.memory_space<vmem>>) semaphore(%arg16 : memref<!tpu.dma_semaphore, #tpu.memory_space<semaphore_mem>>)
      %dma_wait3A = tpu.memref_slice %arg8[%mul3A_228] : memref<10240xi32, #tpu.memory_space<vmem>> -> memref<128xi32, #tpu.memory_space<vmem>>
      %dma_wait3A_238 = arith.constant 0 : i32
      %dma_wait3A_239 = arith.constant 0 : i32
      %dma_wait3A_240 = tpu.memref_slice %arg2[%dma_wait3A_238, %dma_wait3A_239] : memref<320000x128xf32, #tpu.memory_space<hbm>> -> memref<320000x128xf32, #tpu.memory_space<hbm>>
      tpu.wait_indirect_dma semaphore(%arg15 : memref<!tpu.dma_semaphore, #tpu.memory_space<semaphore_mem>>) src(%dma_wait3A_240 : memref<320000x128xf32, #tpu.memory_space<hbm>>) dst(%arg11 : memref<128x128xf32, #tpu.memory_space<vmem>>)
      %dma_start3A_241 = arith.constant 0 : i32
      %dma_start3A_242 = tpu.memref_slice %arg9[%mul3A_224, %dma_start3A_241] : memref<80x128xi32, #tpu.memory_space<vmem>> -> memref<1x128xi32, #tpu.memory_space<vmem>>
      %dma_start3A_243 = tpu.memref_squeeze %dma_start3A_242 : memref<1x128xi32, #tpu.memory_space<vmem>> -> memref<128xi32, #tpu.memory_space<vmem>>
      %dma_start3A_244 = arith.constant 0 : i32
      %dma_start3A_245 = arith.constant 0 : i32
      %dma_start3A_246 = tpu.memref_slice %arg14[%dma_start3A_244, %dma_start3A_245] : memref<5376x128xf32, #tpu.memory_space<vmem_shared>> -> memref<5376x128xf32, #tpu.memory_space<vmem_shared>>
      tpu.enqueue_indirect_dma source(%arg11 : memref<128x128xf32, #tpu.memory_space<vmem>>) target(%dma_start3A_246 : memref<5376x128xf32, #tpu.memory_space<vmem_shared>>) offsets(%dma_start3A_243 : memref<128xi32, #tpu.memory_space<vmem>>) semaphore(%arg17 : memref<!tpu.dma_semaphore, #tpu.memory_space<semaphore_mem>>) {add = true}
      %dma_wait3A_247 = tpu.memref_slice %arg8[%mul3A_233] : memref<10240xi32, #tpu.memory_space<vmem>> -> memref<128xi32, #tpu.memory_space<vmem>>
      %dma_wait3A_248 = arith.constant 0 : i32
      %dma_wait3A_249 = arith.constant 0 : i32
      %dma_wait3A_250 = tpu.memref_slice %arg2[%dma_wait3A_248, %dma_wait3A_249] : memref<320000x128xf32, #tpu.memory_space<hbm>> -> memref<320000x128xf32, #tpu.memory_space<hbm>>
      tpu.wait_indirect_dma semaphore(%arg16 : memref<!tpu.dma_semaphore, #tpu.memory_space<semaphore_mem>>) src(%dma_wait3A_250 : memref<320000x128xf32, #tpu.memory_space<hbm>>) dst(%arg12 : memref<128x128xf32, #tpu.memory_space<vmem>>)
      %dma_start3A_251 = arith.constant 0 : i32
      %dma_start3A_252 = tpu.memref_slice %arg9[%add3A_226, %dma_start3A_251] : memref<80x128xi32, #tpu.memory_space<vmem>> -> memref<1x128xi32, #tpu.memory_space<vmem>>
      %dma_start3A_253 = tpu.memref_squeeze %dma_start3A_252 : memref<1x128xi32, #tpu.memory_space<vmem>> -> memref<128xi32, #tpu.memory_space<vmem>>
      %dma_start3A_254 = arith.constant 0 : i32
      %dma_start3A_255 = arith.constant 0 : i32
      %dma_start3A_256 = tpu.memref_slice %arg14[%dma_start3A_254, %dma_start3A_255] : memref<5376x128xf32, #tpu.memory_space<vmem_shared>> -> memref<5376x128xf32, #tpu.memory_space<vmem_shared>>
      tpu.enqueue_indirect_dma source(%arg12 : memref<128x128xf32, #tpu.memory_space<vmem>>) target(%dma_start3A_256 : memref<5376x128xf32, #tpu.memory_space<vmem_shared>>) offsets(%dma_start3A_253 : memref<128xi32, #tpu.memory_space<vmem>>) semaphore(%arg18 : memref<!tpu.dma_semaphore, #tpu.memory_space<semaphore_mem>>) {add = true}
      %dma_wait3A_257 = arith.constant 0 : i32
      %dma_wait3A_258 = tpu.memref_slice %arg9[%mul3A_224, %dma_wait3A_257] : memref<80x128xi32, #tpu.memory_space<vmem>> -> memref<1x128xi32, #tpu.memory_space<vmem>>
      %dma_wait3A_259 = tpu.memref_squeeze %dma_wait3A_258 : memref<1x128xi32, #tpu.memory_space<vmem>> -> memref<128xi32, #tpu.memory_space<vmem>>
      %dma_wait3A_260 = arith.constant 0 : i32
      %dma_wait3A_261 = arith.constant 0 : i32
      %dma_wait3A_262 = tpu.memref_slice %arg14[%dma_wait3A_260, %dma_wait3A_261] : memref<5376x128xf32, #tpu.memory_space<vmem_shared>> -> memref<5376x128xf32, #tpu.memory_space<vmem_shared>>
      tpu.wait_indirect_dma semaphore(%arg17 : memref<!tpu.dma_semaphore, #tpu.memory_space<semaphore_mem>>) src(%arg11 : memref<128x128xf32, #tpu.memory_space<vmem>>) dst(%dma_wait3A_262 : memref<5376x128xf32, #tpu.memory_space<vmem_shared>>)
      %dma_wait3A_263 = arith.constant 0 : i32
      %dma_wait3A_264 = tpu.memref_slice %arg9[%add3A_226, %dma_wait3A_263] : memref<80x128xi32, #tpu.memory_space<vmem>> -> memref<1x128xi32, #tpu.memory_space<vmem>>
      %dma_wait3A_265 = tpu.memref_squeeze %dma_wait3A_264 : memref<1x128xi32, #tpu.memory_space<vmem>> -> memref<128xi32, #tpu.memory_space<vmem>>
      %dma_wait3A_266 = arith.constant 0 : i32
      %dma_wait3A_267 = arith.constant 0 : i32
      %dma_wait3A_268 = tpu.memref_slice %arg14[%dma_wait3A_266, %dma_wait3A_267] : memref<5376x128xf32, #tpu.memory_space<vmem_shared>> -> memref<5376x128xf32, #tpu.memory_space<vmem_shared>>
      tpu.wait_indirect_dma semaphore(%arg18 : memref<!tpu.dma_semaphore, #tpu.memory_space<semaphore_mem>>) src(%arg12 : memref<128x128xf32, #tpu.memory_space<vmem>>) dst(%dma_wait3A_268 : memref<5376x128xf32, #tpu.memory_space<vmem_shared>>)
    }
    %barrier3A_183 = arith.constant 0 : index
    tpu.barrier barrier_id(%barrier3A_183)
    %mul3A_184 = arith.constant 336 : i32
    %mul3A_185 = arith.muli %arg1, %mul3A_184 : i32
    %mul3A_186 = arith.constant 2 : i32
    %mul3A_187 = arith.muli %arg0, %mul3A_186 : i32
    %add3A_188 = arith.constant 0 : i32
    %add3A_189 = arith.addi %mul3A_187, %add3A_188 : i32
    %mul3A_190 = arith.constant 5376 : i32
    %mul3A_191 = arith.muli %add3A_189, %mul3A_190 : i32
    %mul3A_192 = arith.constant 336 : i32
    %mul3A_193 = arith.muli %arg1, %mul3A_192 : i32
    %add3A_194 = arith.addi %mul3A_191, %mul3A_193 : i32
    "tpu.region"() ({
      %run_scoped3A = tpu.sem_alloc : memref<!tpu.dma_semaphore, #tpu.memory_space<semaphore_mem>>
      %dma_start3A = arith.constant 0 : i32
      %dma_start3A_222 = tpu.memref_slice %arg5[%add3A_194, %dma_start3A] : memref<21504x128xf32, #tpu.memory_space<hbm>> -> memref<336x128xf32, #tpu.memory_space<hbm>>
      %dma_start3A_223 = arith.constant 0 : i32
      %dma_start3A_224 = tpu.memref_slice %arg14[%mul3A_185, %dma_start3A_223] : memref<5376x128xf32, #tpu.memory_space<vmem_shared>> -> memref<336x128xf32, #tpu.memory_space<vmem_shared>>
      tpu.enqueue_dma source(%dma_start3A_224 : memref<336x128xf32, #tpu.memory_space<vmem_shared>>) target(%dma_start3A_222 : memref<336x128xf32, #tpu.memory_space<hbm>>) target_semaphore(%run_scoped3A : memref<!tpu.dma_semaphore, #tpu.memory_space<semaphore_mem>>)
      %dma_wait3A = arith.constant 0 : i32
      %dma_wait3A_225 = tpu.memref_slice %arg5[%add3A_194, %dma_wait3A] : memref<21504x128xf32, #tpu.memory_space<hbm>> -> memref<336x128xf32, #tpu.memory_space<hbm>>
      %dma_wait3A_226 = arith.constant 0 : i32
      %dma_wait3A_227 = tpu.memref_slice %arg14[%mul3A_185, %dma_wait3A_226] : memref<5376x128xf32, #tpu.memory_space<vmem_shared>> -> memref<336x128xf32, #tpu.memory_space<vmem_shared>>
      tpu.wait_dma2 semaphore(%run_scoped3A : memref<!tpu.dma_semaphore, #tpu.memory_space<semaphore_mem>>) src(%dma_wait3A_227 : memref<336x128xf32, #tpu.memory_space<vmem_shared>>) dst(%dma_wait3A_225 : memref<336x128xf32, #tpu.memory_space<hbm>>)
      tpu.yield
    }) : () -> ()
    %scan3A_195 = arith.constant 0 : i32
    %scan3A_196 = arith.constant 21 : i32
    %scan3A_197 = arith.addi %scan3A_195, %scan3A_196 : i32
    %scan3A_198 = arith.constant 1 : i32
    scf.for %scan3A_222 = %scan3A_195 to %scan3A_197 step %scan3A_198  : i32 {
      %mul3A_223 = arith.constant 16 : i32
      %mul3A_224 = arith.muli %scan3A_222, %mul3A_223 : i32
      %add3A_225 = arith.constant 0 : i32
      %add3A_226 = arith.addi %add3A_225, %mul3A_224 : i32
      %mul3A_227 = arith.constant 336 : i32
      %mul3A_228 = arith.muli %arg1, %mul3A_227 : i32
      %add3A_229 = arith.addi %mul3A_228, %add3A_226 : i32
      "tpu.region"() ({
        %run_scoped3A = tpu.sem_alloc : memref<!tpu.dma_semaphore, #tpu.memory_space<semaphore_mem>>
        %dma_start3A = arith.constant 0 : i32
        %dma_start3A_230 = tpu.memref_slice %arg14[%add3A_229, %dma_start3A] : memref<5376x128xf32, #tpu.memory_space<vmem_shared>> -> memref<16x128xf32, #tpu.memory_space<vmem_shared>>
        %dma_start3A_231 = arith.constant 0 : i32
        %dma_start3A_232 = tpu.memref_slice %arg14[%add3A_229, %dma_start3A_231] : memref<5376x128xf32, #tpu.memory_space<vmem_shared>> -> memref<16x128xf32, #tpu.memory_space<vmem_shared>>
        tpu.enqueue_dma source(%arg13 : memref<16x128xf32, #tpu.memory_space<vmem>>) target(%dma_start3A_232 : memref<16x128xf32, #tpu.memory_space<vmem_shared>>) target_semaphore(%run_scoped3A : memref<!tpu.dma_semaphore, #tpu.memory_space<semaphore_mem>>)
        %dma_wait3A = arith.constant 0 : i32
        %dma_wait3A_233 = tpu.memref_slice %arg14[%add3A_229, %dma_wait3A] : memref<5376x128xf32, #tpu.memory_space<vmem_shared>> -> memref<16x128xf32, #tpu.memory_space<vmem_shared>>
        %dma_wait3A_234 = arith.constant 0 : i32
        %dma_wait3A_235 = tpu.memref_slice %arg14[%add3A_229, %dma_wait3A_234] : memref<5376x128xf32, #tpu.memory_space<vmem_shared>> -> memref<16x128xf32, #tpu.memory_space<vmem_shared>>
        tpu.wait_dma2 semaphore(%run_scoped3A : memref<!tpu.dma_semaphore, #tpu.memory_space<semaphore_mem>>) src(%arg13 : memref<16x128xf32, #tpu.memory_space<vmem>>) dst(%dma_wait3A_235 : memref<16x128xf32, #tpu.memory_space<vmem_shared>>)
        tpu.yield
      }) : () -> ()
    }
    %scan3A_199 = arith.constant 21 : i32
    %barrier3A_200 = arith.constant 0 : index
    tpu.barrier barrier_id(%barrier3A_200)
    %while3A_201 = arith.constant 0 : i32
    %while3A_202 = arith.subi %select_n3A_168, %select_n3A_142 : i32
    %while3A_203 = arith.addi %select_n3A_142, %while3A_202 : i32
    %while3A_204 = arith.constant 1 : i32
    %while3A_205 = arith.divsi %while3A_202, %while3A_204 : i32
    %while3A_206 = arith.muli %while3A_205, %while3A_204 : i32
    %while3A_207 = arith.addi %select_n3A_142, %while3A_206 : i32
    %while3A_208 = arith.constant 1 : i32
    scf.for %while3A_222 = %select_n3A_142 to %while3A_207 step %while3A_208  : i32 {
      %mul3A_223 = arith.constant 2 : i32
      %mul3A_224 = arith.muli %mul3A_223, %while3A_222 : i32
      %add3A_225 = arith.constant 1 : i32
      %add3A_226 = arith.addi %mul3A_224, %add3A_225 : i32
      %mul3A_227 = arith.constant 128 : i32
      %mul3A_228 = arith.muli %mul3A_224, %mul3A_227 : i32
      %dma_start3A = tpu.memref_slice %arg8[%mul3A_228] : memref<10240xi32, #tpu.memory_space<vmem>> -> memref<128xi32, #tpu.memory_space<vmem>>
      %dma_start3A_229 = arith.constant 0 : i32
      %dma_start3A_230 = arith.constant 0 : i32
      %dma_start3A_231 = tpu.memref_slice %arg2[%dma_start3A_229, %dma_start3A_230] : memref<320000x128xf32, #tpu.memory_space<hbm>> -> memref<320000x128xf32, #tpu.memory_space<hbm>>
      tpu.enqueue_indirect_dma source(%dma_start3A_231 : memref<320000x128xf32, #tpu.memory_space<hbm>>) target(%arg11 : memref<128x128xf32, #tpu.memory_space<vmem>>) offsets(%dma_start3A : memref<128xi32, #tpu.memory_space<vmem>>) semaphore(%arg15 : memref<!tpu.dma_semaphore, #tpu.memory_space<semaphore_mem>>)
      %mul3A_232 = arith.constant 128 : i32
      %mul3A_233 = arith.muli %add3A_226, %mul3A_232 : i32
      %dma_start3A_234 = tpu.memref_slice %arg8[%mul3A_233] : memref<10240xi32, #tpu.memory_space<vmem>> -> memref<128xi32, #tpu.memory_space<vmem>>
      %dma_start3A_235 = arith.constant 0 : i32
      %dma_start3A_236 = arith.constant 0 : i32
      %dma_start3A_237 = tpu.memref_slice %arg2[%dma_start3A_235, %dma_start3A_236] : memref<320000x128xf32, #tpu.memory_space<hbm>> -> memref<320000x128xf32, #tpu.memory_space<hbm>>
      tpu.enqueue_indirect_dma source(%dma_start3A_237 : memref<320000x128xf32, #tpu.memory_space<hbm>>) target(%arg12 : memref<128x128xf32, #tpu.memory_space<vmem>>) offsets(%dma_start3A_234 : memref<128xi32, #tpu.memory_space<vmem>>) semaphore(%arg16 : memref<!tpu.dma_semaphore, #tpu.memory_space<semaphore_mem>>)
      %dma_wait3A = tpu.memref_slice %arg8[%mul3A_228] : memref<10240xi32, #tpu.memory_space<vmem>> -> memref<128xi32, #tpu.memory_space<vmem>>
      %dma_wait3A_238 = arith.constant 0 : i32
      %dma_wait3A_239 = arith.constant 0 : i32
      %dma_wait3A_240 = tpu.memref_slice %arg2[%dma_wait3A_238, %dma_wait3A_239] : memref<320000x128xf32, #tpu.memory_space<hbm>> -> memref<320000x128xf32, #tpu.memory_space<hbm>>
      tpu.wait_indirect_dma semaphore(%arg15 : memref<!tpu.dma_semaphore, #tpu.memory_space<semaphore_mem>>) src(%dma_wait3A_240 : memref<320000x128xf32, #tpu.memory_space<hbm>>) dst(%arg11 : memref<128x128xf32, #tpu.memory_space<vmem>>)
      %dma_start3A_241 = arith.constant 0 : i32
      %dma_start3A_242 = tpu.memref_slice %arg10[%mul3A_224, %dma_start3A_241] : memref<80x128xi32, #tpu.memory_space<vmem>> -> memref<1x128xi32, #tpu.memory_space<vmem>>
      %dma_start3A_243 = tpu.memref_squeeze %dma_start3A_242 : memref<1x128xi32, #tpu.memory_space<vmem>> -> memref<128xi32, #tpu.memory_space<vmem>>
      %dma_start3A_244 = arith.constant 0 : i32
      %dma_start3A_245 = arith.constant 0 : i32
      %dma_start3A_246 = tpu.memref_slice %arg14[%dma_start3A_244, %dma_start3A_245] : memref<5376x128xf32, #tpu.memory_space<vmem_shared>> -> memref<5376x128xf32, #tpu.memory_space<vmem_shared>>
      tpu.enqueue_indirect_dma source(%arg11 : memref<128x128xf32, #tpu.memory_space<vmem>>) target(%dma_start3A_246 : memref<5376x128xf32, #tpu.memory_space<vmem_shared>>) offsets(%dma_start3A_243 : memref<128xi32, #tpu.memory_space<vmem>>) semaphore(%arg17 : memref<!tpu.dma_semaphore, #tpu.memory_space<semaphore_mem>>) {add = true}
      %dma_wait3A_247 = tpu.memref_slice %arg8[%mul3A_233] : memref<10240xi32, #tpu.memory_space<vmem>> -> memref<128xi32, #tpu.memory_space<vmem>>
      %dma_wait3A_248 = arith.constant 0 : i32
      %dma_wait3A_249 = arith.constant 0 : i32
      %dma_wait3A_250 = tpu.memref_slice %arg2[%dma_wait3A_248, %dma_wait3A_249] : memref<320000x128xf32, #tpu.memory_space<hbm>> -> memref<320000x128xf32, #tpu.memory_space<hbm>>
      tpu.wait_indirect_dma semaphore(%arg16 : memref<!tpu.dma_semaphore, #tpu.memory_space<semaphore_mem>>) src(%dma_wait3A_250 : memref<320000x128xf32, #tpu.memory_space<hbm>>) dst(%arg12 : memref<128x128xf32, #tpu.memory_space<vmem>>)
      %dma_start3A_251 = arith.constant 0 : i32
      %dma_start3A_252 = tpu.memref_slice %arg10[%add3A_226, %dma_start3A_251] : memref<80x128xi32, #tpu.memory_space<vmem>> -> memref<1x128xi32, #tpu.memory_space<vmem>>
      %dma_start3A_253 = tpu.memref_squeeze %dma_start3A_252 : memref<1x128xi32, #tpu.memory_space<vmem>> -> memref<128xi32, #tpu.memory_space<vmem>>
      %dma_start3A_254 = arith.constant 0 : i32
      %dma_start3A_255 = arith.constant 0 : i32
      %dma_start3A_256 = tpu.memref_slice %arg14[%dma_start3A_254, %dma_start3A_255] : memref<5376x128xf32, #tpu.memory_space<vmem_shared>> -> memref<5376x128xf32, #tpu.memory_space<vmem_shared>>
      tpu.enqueue_indirect_dma source(%arg12 : memref<128x128xf32, #tpu.memory_space<vmem>>) target(%dma_start3A_256 : memref<5376x128xf32, #tpu.memory_space<vmem_shared>>) offsets(%dma_start3A_253 : memref<128xi32, #tpu.memory_space<vmem>>) semaphore(%arg18 : memref<!tpu.dma_semaphore, #tpu.memory_space<semaphore_mem>>) {add = true}
      %dma_wait3A_257 = arith.constant 0 : i32
      %dma_wait3A_258 = tpu.memref_slice %arg10[%mul3A_224, %dma_wait3A_257] : memref<80x128xi32, #tpu.memory_space<vmem>> -> memref<1x128xi32, #tpu.memory_space<vmem>>
      %dma_wait3A_259 = tpu.memref_squeeze %dma_wait3A_258 : memref<1x128xi32, #tpu.memory_space<vmem>> -> memref<128xi32, #tpu.memory_space<vmem>>
      %dma_wait3A_260 = arith.constant 0 : i32
      %dma_wait3A_261 = arith.constant 0 : i32
      %dma_wait3A_262 = tpu.memref_slice %arg14[%dma_wait3A_260, %dma_wait3A_261] : memref<5376x128xf32, #tpu.memory_space<vmem_shared>> -> memref<5376x128xf32, #tpu.memory_space<vmem_shared>>
      tpu.wait_indirect_dma semaphore(%arg17 : memref<!tpu.dma_semaphore, #tpu.memory_space<semaphore_mem>>) src(%arg11 : memref<128x128xf32, #tpu.memory_space<vmem>>) dst(%dma_wait3A_262 : memref<5376x128xf32, #tpu.memory_space<vmem_shared>>)
      %dma_wait3A_263 = arith.constant 0 : i32
      %dma_wait3A_264 = tpu.memref_slice %arg10[%add3A_226, %dma_wait3A_263] : memref<80x128xi32, #tpu.memory_space<vmem>> -> memref<1x128xi32, #tpu.memory_space<vmem>>
      %dma_wait3A_265 = tpu.memref_squeeze %dma_wait3A_264 : memref<1x128xi32, #tpu.memory_space<vmem>> -> memref<128xi32, #tpu.memory_space<vmem>>
      %dma_wait3A_266 = arith.constant 0 : i32
      %dma_wait3A_267 = arith.constant 0 : i32
      %dma_wait3A_268 = tpu.memref_slice %arg14[%dma_wait3A_266, %dma_wait3A_267] : memref<5376x128xf32, #tpu.memory_space<vmem_shared>> -> memref<5376x128xf32, #tpu.memory_space<vmem_shared>>
      tpu.wait_indirect_dma semaphore(%arg18 : memref<!tpu.dma_semaphore, #tpu.memory_space<semaphore_mem>>) src(%arg12 : memref<128x128xf32, #tpu.memory_space<vmem>>) dst(%dma_wait3A_268 : memref<5376x128xf32, #tpu.memory_space<vmem_shared>>)
    }
    %while3A_209 = arith.constant 1 : i32
    scf.for %while3A_222 = %while3A_207 to %while3A_203 step %while3A_209  : i32 {
      %mul3A_223 = arith.constant 2 : i32
      %mul3A_224 = arith.muli %mul3A_223, %while3A_222 : i32
      %add3A_225 = arith.constant 1 : i32
      %add3A_226 = arith.addi %mul3A_224, %add3A_225 : i32
      %mul3A_227 = arith.constant 128 : i32
      %mul3A_228 = arith.muli %mul3A_224, %mul3A_227 : i32
      %dma_start3A = tpu.memref_slice %arg8[%mul3A_228] : memref<10240xi32, #tpu.memory_space<vmem>> -> memref<128xi32, #tpu.memory_space<vmem>>
      %dma_start3A_229 = arith.constant 0 : i32
      %dma_start3A_230 = arith.constant 0 : i32
      %dma_start3A_231 = tpu.memref_slice %arg2[%dma_start3A_229, %dma_start3A_230] : memref<320000x128xf32, #tpu.memory_space<hbm>> -> memref<320000x128xf32, #tpu.memory_space<hbm>>
      tpu.enqueue_indirect_dma source(%dma_start3A_231 : memref<320000x128xf32, #tpu.memory_space<hbm>>) target(%arg11 : memref<128x128xf32, #tpu.memory_space<vmem>>) offsets(%dma_start3A : memref<128xi32, #tpu.memory_space<vmem>>) semaphore(%arg15 : memref<!tpu.dma_semaphore, #tpu.memory_space<semaphore_mem>>)
      %mul3A_232 = arith.constant 128 : i32
      %mul3A_233 = arith.muli %add3A_226, %mul3A_232 : i32
      %dma_start3A_234 = tpu.memref_slice %arg8[%mul3A_233] : memref<10240xi32, #tpu.memory_space<vmem>> -> memref<128xi32, #tpu.memory_space<vmem>>
      %dma_start3A_235 = arith.constant 0 : i32
      %dma_start3A_236 = arith.constant 0 : i32
      %dma_start3A_237 = tpu.memref_slice %arg2[%dma_start3A_235, %dma_start3A_236] : memref<320000x128xf32, #tpu.memory_space<hbm>> -> memref<320000x128xf32, #tpu.memory_space<hbm>>
      tpu.enqueue_indirect_dma source(%dma_start3A_237 : memref<320000x128xf32, #tpu.memory_space<hbm>>) target(%arg12 : memref<128x128xf32, #tpu.memory_space<vmem>>) offsets(%dma_start3A_234 : memref<128xi32, #tpu.memory_space<vmem>>) semaphore(%arg16 : memref<!tpu.dma_semaphore, #tpu.memory_space<semaphore_mem>>)
      %dma_wait3A = tpu.memref_slice %arg8[%mul3A_228] : memref<10240xi32, #tpu.memory_space<vmem>> -> memref<128xi32, #tpu.memory_space<vmem>>
      %dma_wait3A_238 = arith.constant 0 : i32
      %dma_wait3A_239 = arith.constant 0 : i32
      %dma_wait3A_240 = tpu.memref_slice %arg2[%dma_wait3A_238, %dma_wait3A_239] : memref<320000x128xf32, #tpu.memory_space<hbm>> -> memref<320000x128xf32, #tpu.memory_space<hbm>>
      tpu.wait_indirect_dma semaphore(%arg15 : memref<!tpu.dma_semaphore, #tpu.memory_space<semaphore_mem>>) src(%dma_wait3A_240 : memref<320000x128xf32, #tpu.memory_space<hbm>>) dst(%arg11 : memref<128x128xf32, #tpu.memory_space<vmem>>)
      %dma_start3A_241 = arith.constant 0 : i32
      %dma_start3A_242 = tpu.memref_slice %arg10[%mul3A_224, %dma_start3A_241] : memref<80x128xi32, #tpu.memory_space<vmem>> -> memref<1x128xi32, #tpu.memory_space<vmem>>
      %dma_start3A_243 = tpu.memref_squeeze %dma_start3A_242 : memref<1x128xi32, #tpu.memory_space<vmem>> -> memref<128xi32, #tpu.memory_space<vmem>>
      %dma_start3A_244 = arith.constant 0 : i32
      %dma_start3A_245 = arith.constant 0 : i32
      %dma_start3A_246 = tpu.memref_slice %arg14[%dma_start3A_244, %dma_start3A_245] : memref<5376x128xf32, #tpu.memory_space<vmem_shared>> -> memref<5376x128xf32, #tpu.memory_space<vmem_shared>>
      tpu.enqueue_indirect_dma source(%arg11 : memref<128x128xf32, #tpu.memory_space<vmem>>) target(%dma_start3A_246 : memref<5376x128xf32, #tpu.memory_space<vmem_shared>>) offsets(%dma_start3A_243 : memref<128xi32, #tpu.memory_space<vmem>>) semaphore(%arg17 : memref<!tpu.dma_semaphore, #tpu.memory_space<semaphore_mem>>) {add = true}
      %dma_wait3A_247 = tpu.memref_slice %arg8[%mul3A_233] : memref<10240xi32, #tpu.memory_space<vmem>> -> memref<128xi32, #tpu.memory_space<vmem>>
      %dma_wait3A_248 = arith.constant 0 : i32
      %dma_wait3A_249 = arith.constant 0 : i32
      %dma_wait3A_250 = tpu.memref_slice %arg2[%dma_wait3A_248, %dma_wait3A_249] : memref<320000x128xf32, #tpu.memory_space<hbm>> -> memref<320000x128xf32, #tpu.memory_space<hbm>>
      tpu.wait_indirect_dma semaphore(%arg16 : memref<!tpu.dma_semaphore, #tpu.memory_space<semaphore_mem>>) src(%dma_wait3A_250 : memref<320000x128xf32, #tpu.memory_space<hbm>>) dst(%arg12 : memref<128x128xf32, #tpu.memory_space<vmem>>)
      %dma_start3A_251 = arith.constant 0 : i32
      %dma_start3A_252 = tpu.memref_slice %arg10[%add3A_226, %dma_start3A_251] : memref<80x128xi32, #tpu.memory_space<vmem>> -> memref<1x128xi32, #tpu.memory_space<vmem>>
      %dma_start3A_253 = tpu.memref_squeeze %dma_start3A_252 : memref<1x128xi32, #tpu.memory_space<vmem>> -> memref<128xi32, #tpu.memory_space<vmem>>
      %dma_start3A_254 = arith.constant 0 : i32
      %dma_start3A_255 = arith.constant 0 : i32
      %dma_start3A_256 = tpu.memref_slice %arg14[%dma_start3A_254, %dma_start3A_255] : memref<5376x128xf32, #tpu.memory_space<vmem_shared>> -> memref<5376x128xf32, #tpu.memory_space<vmem_shared>>
      tpu.enqueue_indirect_dma source(%arg12 : memref<128x128xf32, #tpu.memory_space<vmem>>) target(%dma_start3A_256 : memref<5376x128xf32, #tpu.memory_space<vmem_shared>>) offsets(%dma_start3A_253 : memref<128xi32, #tpu.memory_space<vmem>>) semaphore(%arg18 : memref<!tpu.dma_semaphore, #tpu.memory_space<semaphore_mem>>) {add = true}
      %dma_wait3A_257 = arith.constant 0 : i32
      %dma_wait3A_258 = tpu.memref_slice %arg10[%mul3A_224, %dma_wait3A_257] : memref<80x128xi32, #tpu.memory_space<vmem>> -> memref<1x128xi32, #tpu.memory_space<vmem>>
      %dma_wait3A_259 = tpu.memref_squeeze %dma_wait3A_258 : memref<1x128xi32, #tpu.memory_space<vmem>> -> memref<128xi32, #tpu.memory_space<vmem>>
      %dma_wait3A_260 = arith.constant 0 : i32
      %dma_wait3A_261 = arith.constant 0 : i32
      %dma_wait3A_262 = tpu.memref_slice %arg14[%dma_wait3A_260, %dma_wait3A_261] : memref<5376x128xf32, #tpu.memory_space<vmem_shared>> -> memref<5376x128xf32, #tpu.memory_space<vmem_shared>>
      tpu.wait_indirect_dma semaphore(%arg17 : memref<!tpu.dma_semaphore, #tpu.memory_space<semaphore_mem>>) src(%arg11 : memref<128x128xf32, #tpu.memory_space<vmem>>) dst(%dma_wait3A_262 : memref<5376x128xf32, #tpu.memory_space<vmem_shared>>)
      %dma_wait3A_263 = arith.constant 0 : i32
      %dma_wait3A_264 = tpu.memref_slice %arg10[%add3A_226, %dma_wait3A_263] : memref<80x128xi32, #tpu.memory_space<vmem>> -> memref<1x128xi32, #tpu.memory_space<vmem>>
      %dma_wait3A_265 = tpu.memref_squeeze %dma_wait3A_264 : memref<1x128xi32, #tpu.memory_space<vmem>> -> memref<128xi32, #tpu.memory_space<vmem>>
      %dma_wait3A_266 = arith.constant 0 : i32
      %dma_wait3A_267 = arith.constant 0 : i32
      %dma_wait3A_268 = tpu.memref_slice %arg14[%dma_wait3A_266, %dma_wait3A_267] : memref<5376x128xf32, #tpu.memory_space<vmem_shared>> -> memref<5376x128xf32, #tpu.memory_space<vmem_shared>>
      tpu.wait_indirect_dma semaphore(%arg18 : memref<!tpu.dma_semaphore, #tpu.memory_space<semaphore_mem>>) src(%arg12 : memref<128x128xf32, #tpu.memory_space<vmem>>) dst(%dma_wait3A_268 : memref<5376x128xf32, #tpu.memory_space<vmem_shared>>)
    }
    %barrier3A_210 = arith.constant 0 : index
    tpu.barrier barrier_id(%barrier3A_210)
    %mul3A_211 = arith.constant 336 : i32
    %mul3A_212 = arith.muli %arg1, %mul3A_211 : i32
    %mul3A_213 = arith.constant 2 : i32
    %mul3A_214 = arith.muli %arg0, %mul3A_213 : i32
    %add3A_215 = arith.constant 1 : i32
    %add3A_216 = arith.addi %mul3A_214, %add3A_215 : i32
    %mul3A_217 = arith.constant 5376 : i32
    %mul3A_218 = arith.muli %add3A_216, %mul3A_217 : i32
    %mul3A_219 = arith.constant 336 : i32
    %mul3A_220 = arith.muli %arg1, %mul3A_219 : i32
    %add3A_221 = arith.addi %mul3A_218, %mul3A_220 : i32
    "tpu.region"() ({
      %run_scoped3A = tpu.sem_alloc : memref<!tpu.dma_semaphore, #tpu.memory_space<semaphore_mem>>
      %dma_start3A = arith.constant 0 : i32
      %dma_start3A_222 = tpu.memref_slice %arg5[%add3A_221, %dma_start3A] : memref<21504x128xf32, #tpu.memory_space<hbm>> -> memref<336x128xf32, #tpu.memory_space<hbm>>
      %dma_start3A_223 = arith.constant 0 : i32
      %dma_start3A_224 = tpu.memref_slice %arg14[%mul3A_212, %dma_start3A_223] : memref<5376x128xf32, #tpu.memory_space<vmem_shared>> -> memref<336x128xf32, #tpu.memory_space<vmem_shared>>
      tpu.enqueue_dma source(%dma_start3A_224 : memref<336x128xf32, #tpu.memory_space<vmem_shared>>) target(%dma_start3A_222 : memref<336x128xf32, #tpu.memory_space<hbm>>) target_semaphore(%run_scoped3A : memref<!tpu.dma_semaphore, #tpu.memory_space<semaphore_mem>>)
      %dma_wait3A = arith.constant 0 : i32
      %dma_wait3A_225 = tpu.memref_slice %arg5[%add3A_221, %dma_wait3A] : memref<21504x128xf32, #tpu.memory_space<hbm>> -> memref<336x128xf32, #tpu.memory_space<hbm>>
      %dma_wait3A_226 = arith.constant 0 : i32
      %dma_wait3A_227 = tpu.memref_slice %arg14[%mul3A_212, %dma_wait3A_226] : memref<5376x128xf32, #tpu.memory_space<vmem_shared>> -> memref<336x128xf32, #tpu.memory_space<vmem_shared>>
      tpu.wait_dma2 semaphore(%run_scoped3A : memref<!tpu.dma_semaphore, #tpu.memory_space<semaphore_mem>>) src(%dma_wait3A_227 : memref<336x128xf32, #tpu.memory_space<vmem_shared>>) dst(%dma_wait3A_225 : memref<336x128xf32, #tpu.memory_space<hbm>>)
      tpu.yield
    }) : () -> ()
    return
  }
}

module attributes {stable_mosaic.version = 14 : i64} {
  func.func @_small_body(%arg0: i32, %arg1: memref<1x1x6400xi32, #tpu.memory_space<vmem>>, %arg2: memref<6400x1xi32, #tpu.memory_space<vmem>>, %arg3: memref<6400x16xf32, #tpu.memory_space<vmem>>, %arg4: memref<10240x16xf32, #tpu.memory_space<vmem>>) attributes {dimension_semantics = [#tpu.dimension_semantics<arbitrary>], iteration_bounds = array<i64: 50>, scalar_prefetch = 0 : i64, scratch_operands = 0 : i64, tpu.core_type = #tpu.core_type<tc>, window_params = [{transform_indices = @transform_0, window_bounds = array<i64: 1, 1, 6400>}, {transform_indices = @transform_1, window_bounds = array<i64: 6400, 1>}, {transform_indices = @transform_2, window_bounds = array<i64: 6400, 16>}, {pipeline_mode = #tpu.pipeline_mode<synchronous>, transform_indices = @transform_3, window_bounds = array<i64: 10240, 16>}]} {
    %eq3A = arith.constant 0 : i32
    %eq3A_0 = arith.cmpi eq, %arg0, %eq3A : i32
    %convert_element_type3A = arith.extui %eq3A_0 : i1 to i32
    %cond3A = arith.constant 0 : i32
    %cond3A_1 = arith.cmpi ne, %convert_element_type3A, %cond3A : i32
    scf.if %cond3A_1 {
      %broadcast_in_dim3A_124 = arith.constant 0.000000e+00 : f32
      %broadcast_in_dim3A_125 = vector.broadcast %broadcast_in_dim3A_124 : f32 to vector<10240x16xf32>
      %swap3A = arith.constant 0 : index
      %swap3A_126 = arith.constant 0 : index
      %swap3A_127 = vector.load %arg4[%swap3A, %swap3A_126] : memref<10240x16xf32, #tpu.memory_space<vmem>>, vector<10240x16xf32>
      tpu.vector_store %arg4[%swap3A, %swap3A_126], %broadcast_in_dim3A_125 {strides = array<i32>} : memref<10240x16xf32, #tpu.memory_space<vmem>>, vector<10240x16xf32>,
    } else {
    }
    %get3A = arith.constant 0 : index
    %get3A_2 = arith.constant 0 : index
    %get3A_3 = arith.constant 0 : index
    %get3A_4 = vector.load %arg1[%get3A, %get3A_2, %get3A_3] : memref<1x1x6400xi32, #tpu.memory_space<vmem>>, vector<1x1x6400xi32>
    %get3A_5 = vector.shape_cast %get3A_4 : vector<1x1x6400xi32> to vector<1x6400xi32>
    %get3A_6 = arith.constant 0 : index
    %get3A_7 = arith.constant 0 : index
    %get3A_8 = vector.load %arg2[%get3A_6, %get3A_7] : memref<6400x1xi32, #tpu.memory_space<vmem>>, vector<6400x1xi32>
    %get3A_9 = arith.constant 0 : index
    %get3A_10 = arith.constant 0 : index
    %get3A_11 = vector.load %arg3[%get3A_9, %get3A_10] : memref<6400x16xf32, #tpu.memory_space<vmem>>, vector<6400x16xf32>
    %iota3A = tpu.iota {dimensions = array<i32: 1>} : vector<1x16xi32>
    %lt3A = arith.constant 3 : i32
    %lt3A_12 = vector.broadcast %lt3A : i32 to vector<1x16xi32>
    %lt3A_13 = arith.cmpi slt, %iota3A, %lt3A_12 : vector<1x16xi32>
    %lt3A_14 = arith.constant 6 : i32
    %lt3A_15 = vector.broadcast %lt3A_14 : i32 to vector<1x16xi32>
    %lt3A_16 = arith.cmpi slt, %iota3A, %lt3A_15 : vector<1x16xi32>
    %eq3A_17 = arith.constant 6 : i32
    %eq3A_18 = vector.broadcast %eq3A_17 : i32 to vector<1x16xi32>
    %eq3A_19 = arith.cmpi eq, %iota3A, %eq3A_18 : vector<1x16xi32>
    %eq3A_20 = arith.constant 8 : i32
    %eq3A_21 = vector.broadcast %eq3A_20 : i32 to vector<1x16xi32>
    %eq3A_22 = arith.cmpi eq, %iota3A, %eq3A_21 : vector<1x16xi32>
    %eq3A_23 = arith.constant 9 : i32
    %eq3A_24 = vector.broadcast %eq3A_23 : i32 to vector<1x16xi32>
    %eq3A_25 = arith.cmpi eq, %iota3A, %eq3A_24 : vector<1x16xi32>
    %eq3A_26 = arith.constant 10 : i32
    %eq3A_27 = vector.broadcast %eq3A_26 : i32 to vector<1x16xi32>
    %eq3A_28 = arith.cmpi eq, %iota3A, %eq3A_27 : vector<1x16xi32>
    %jit3A = arith.constant 4 : i32
    %jit3A_29 = arith.constant -1 : i32
    %broadcast_in_dim3A = vector.broadcast %jit3A : i32 to vector<1x16xi32>
    %broadcast_in_dim3A_30 = vector.broadcast %jit3A_29 : i32 to vector<1x16xi32>
    %select_n3A = arith.select %eq3A_28, %broadcast_in_dim3A, %broadcast_in_dim3A_30 : vector<1x16xi1>, vector<1x16xi32>
    %jit3A_31 = arith.constant 2 : i32
    %broadcast_in_dim3A_32 = vector.broadcast %jit3A_31 : i32 to vector<1x16xi32>
    %select_n3A_33 = arith.select %eq3A_25, %broadcast_in_dim3A_32, %select_n3A : vector<1x16xi1>, vector<1x16xi32>
    %jit3A_34 = arith.constant 0 : i32
    %broadcast_in_dim3A_35 = vector.broadcast %jit3A_34 : i32 to vector<1x16xi32>
    %select_n3A_36 = arith.select %eq3A_22, %broadcast_in_dim3A_35, %select_n3A_33 : vector<1x16xi1>, vector<1x16xi32>
    %jit3A_37 = arith.constant 1 : i32
    %broadcast_in_dim3A_38 = vector.broadcast %jit3A_37 : i32 to vector<1x16xi32>
    %select_n3A_39 = arith.select %eq3A_19, %broadcast_in_dim3A_38, %select_n3A_36 : vector<1x16xi1>, vector<1x16xi32>
    %jit3A_40 = arith.constant 4 : i32
    %broadcast_in_dim3A_41 = vector.broadcast %jit3A_40 : i32 to vector<1x16xi32>
    %select_n3A_42 = arith.select %lt3A_16, %broadcast_in_dim3A_41, %select_n3A_39 : vector<1x16xi1>, vector<1x16xi32>
    %jit3A_43 = arith.constant 1 : i32
    %broadcast_in_dim3A_44 = vector.broadcast %jit3A_43 : i32 to vector<1x16xi32>
    %select_n3A_45 = arith.select %lt3A_13, %broadcast_in_dim3A_44, %select_n3A_42 : vector<1x16xi1>, vector<1x16xi32>
    %eq3A_46 = arith.constant 7 : i32
    %eq3A_47 = vector.broadcast %eq3A_46 : i32 to vector<1x16xi32>
    %eq3A_48 = arith.cmpi eq, %iota3A, %eq3A_47 : vector<1x16xi32>
    %convert_element_type3A_49 = arith.extui %eq3A_48 : vector<1x16xi1> to vector<1x16xi32>
    %convert_element_type3A_50 = arith.sitofp %convert_element_type3A_49 : vector<1x16xi32> to vector<1x16xf32>
    %broadcast_in_dim3A_51 = vector.shape_cast %get3A_8 : vector<6400x1xi32> to vector<6400x1xi32>
    %broadcast_in_dim3A_52 = vector.broadcast %broadcast_in_dim3A_51 : vector<6400x1xi32> to vector<6400x16xi32>
    %eq3A_53 = vector.broadcast %select_n3A_45 : vector<1x16xi32> to vector<6400x16xi32>
    %eq3A_54 = arith.cmpi eq, %broadcast_in_dim3A_52, %eq3A_53 : vector<6400x16xi32>
    %convert_element_type3A_55 = arith.extui %eq3A_54 : vector<6400x16xi1> to vector<6400x16xi32>
    %convert_element_type3A_56 = arith.sitofp %convert_element_type3A_55 : vector<6400x16xi32> to vector<6400x16xf32>
    %mul3A = arith.mulf %get3A_11, %convert_element_type3A_56 : vector<6400x16xf32>
    %add3A = vector.broadcast %convert_element_type3A_50 : vector<1x16xf32> to vector<6400x16xf32>
    %add3A_57 = arith.addf %mul3A, %add3A : vector<6400x16xf32>
    %get3A_58 = arith.constant 0 : index
    %get3A_59 = arith.constant 0 : index
    %get3A_60 = arith.constant 0 : index
    %get3A_61 = vector.load %arg1[%get3A_58, %get3A_59, %get3A_60] : memref<1x1x6400xi32, #tpu.memory_space<vmem>>, vector<1x1x1xi32>
    %get3A_62 = vector.extract %get3A_61[0, 0, 0] : i32 from vector<1x1x1xi32>
    %get3A_63 = arith.constant 0 : index
    %get3A_64 = arith.constant 0 : index
    %get3A_65 = arith.constant 6399 : index
    %get3A_66 = vector.load %arg1[%get3A_63, %get3A_64, %get3A_65] : memref<1x1x6400xi32, #tpu.memory_space<vmem>>, vector<1x1x1xi32>
    %get3A_67 = vector.extract %get3A_66[0, 0, 0] : i32 from vector<1x1x1xi32>
    %jit3A_68 = arith.constant 8 : i32
    %div3A = arith.divsi %get3A_62, %jit3A_68 : i32
    %sign3A = arith.constant 0 : i32
    %sign3A_69 = arith.cmpi sgt, %get3A_62, %sign3A : i32
    %sign3A_70 = arith.extui %sign3A_69 : i1 to i32
    %sign3A_71 = arith.constant 0 : i32
    %sign3A_72 = arith.cmpi slt, %get3A_62, %sign3A_71 : i32
    %sign3A_73 = arith.extui %sign3A_72 : i1 to i32
    %sign3A_74 = arith.subi %sign3A_70, %sign3A_73 : i32
    %sign3A_75 = arith.constant 0 : i32
    %sign3A_76 = arith.cmpi sgt, %jit3A_68, %sign3A_75 : i32
    %sign3A_77 = arith.extui %sign3A_76 : i1 to i32
    %sign3A_78 = arith.constant 0 : i32
    %sign3A_79 = arith.cmpi slt, %jit3A_68, %sign3A_78 : i32
    %sign3A_80 = arith.extui %sign3A_79 : i1 to i32
    %sign3A_81 = arith.subi %sign3A_77, %sign3A_80 : i32
    %ne3A = arith.cmpi ne, %sign3A_74, %sign3A_81 : i32
    %rem3A = arith.remsi %get3A_62, %jit3A_68 : i32
    %ne3A_82 = arith.constant 0 : i32
    %ne3A_83 = arith.cmpi ne, %rem3A, %ne3A_82 : i32
    %and3A = arith.andi %ne3A, %ne3A_83 : i1
    %sub3A = arith.constant 1 : i32
    %sub3A_84 = arith.subi %div3A, %sub3A : i32
    %select_n3A_85 = arith.select %and3A, %sub3A_84, %div3A : i32
    %mul3A_86 = arith.constant 8 : i32
    %mul3A_87 = arith.muli %select_n3A_85, %mul3A_86 : i32
    %sub3A_88 = arith.subi %get3A_67, %mul3A_87 : i32
    %jit3A_89 = arith.constant 128 : i32
    %div3A_90 = arith.divsi %sub3A_88, %jit3A_89 : i32
    %sign3A_91 = arith.constant 0 : i32
    %sign3A_92 = arith.cmpi sgt, %sub3A_88, %sign3A_91 : i32
    %sign3A_93 = arith.extui %sign3A_92 : i1 to i32
    %sign3A_94 = arith.constant 0 : i32
    %sign3A_95 = arith.cmpi slt, %sub3A_88, %sign3A_94 : i32
    %sign3A_96 = arith.extui %sign3A_95 : i1 to i32
    %sign3A_97 = arith.subi %sign3A_93, %sign3A_96 : i32
    %sign3A_98 = arith.constant 0 : i32
    %sign3A_99 = arith.cmpi sgt, %jit3A_89, %sign3A_98 : i32
    %sign3A_100 = arith.extui %sign3A_99 : i1 to i32
    %sign3A_101 = arith.constant 0 : i32
    %sign3A_102 = arith.cmpi slt, %jit3A_89, %sign3A_101 : i32
    %sign3A_103 = arith.extui %sign3A_102 : i1 to i32
    %sign3A_104 = arith.subi %sign3A_100, %sign3A_103 : i32
    %ne3A_105 = arith.cmpi ne, %sign3A_97, %sign3A_104 : i32
    %rem3A_106 = arith.remsi %sub3A_88, %jit3A_89 : i32
    %ne3A_107 = arith.constant 0 : i32
    %ne3A_108 = arith.cmpi ne, %rem3A_106, %ne3A_107 : i32
    %and3A_109 = arith.andi %ne3A_105, %ne3A_108 : i1
    %sub3A_110 = arith.constant 1 : i32
    %sub3A_111 = arith.subi %div3A_90, %sub3A_110 : i32
    %select_n3A_112 = arith.select %and3A_109, %sub3A_111, %div3A_90 : i32
    %add3A_113 = arith.constant 1 : i32
    %add3A_114 = arith.addi %select_n3A_112, %add3A_113 : i32
    %while3A = arith.constant 0 : i32
    %while3A_115 = arith.constant 0 : i32
    %while3A_116 = arith.subi %add3A_114, %while3A_115 : i32
    %while3A_117 = arith.addi %while3A_115, %while3A_116 : i32
    %while3A_118 = arith.constant 1 : i32
    %while3A_119 = arith.divsi %while3A_116, %while3A_118 : i32
    %while3A_120 = arith.muli %while3A_119, %while3A_118 : i32
    %while3A_121 = arith.addi %while3A_115, %while3A_120 : i32
    %while3A_122 = arith.constant 1 : i32
    scf.for %while3A_124 = %while3A_115 to %while3A_121 step %while3A_122  : i32 {
      %mul3A_125 = arith.constant 128 : i32
      %mul3A_126 = arith.muli %while3A_124, %mul3A_125 : i32
      %add3A_127 = arith.addi %mul3A_87, %mul3A_126 : i32
      %iota3A_128 = tpu.iota {dimensions = array<i32: 0>} : vector<128x6400xi32>
      %sub3A_129 = vector.broadcast %add3A_127 : i32 to vector<1x6400xi32>
      %sub3A_130 = arith.subi %get3A_5, %sub3A_129 : vector<1x6400xi32>
      %eq3A_131 = vector.broadcast %sub3A_130 : vector<1x6400xi32> to vector<128x6400xi32>
      %eq3A_132 = arith.cmpi eq, %eq3A_131, %iota3A_128 : vector<128x6400xi32>
      %convert_element_type3A_133 = arith.extui %eq3A_132 : vector<128x6400xi1> to vector<128x6400xi32>
      %convert_element_type3A_134 = arith.sitofp %convert_element_type3A_133 : vector<128x6400xi32> to vector<128x6400xf32>
      %get3A_135 = arith.index_cast %add3A_127 : i32 to index
      %get3A_136 = arith.constant 0 : index
      %get3A_137 = vector.load %arg4[%get3A_135, %get3A_136] : memref<10240x16xf32, #tpu.memory_space<vmem>>, vector<128x16xf32>
      %dot_general3A = arith.constant dense<0.000000e+00> : vector<128x16xf32>
      %dot_general3A_138 = tpu.matmul %convert_element_type3A_134, %add3A_57, %dot_general3A {dimension_numbers = #tpu.dot_dimension_numbers<[1], [0], [0], [1], [0, 0, 1, 1], [], []>, transpose_lhs_hint = false} : vector<128x6400xf32>, vector<6400x16xf32>, vector<128x16xf32> -> vector<128x16xf32>
      %add3A_139 = arith.addf %get3A_137, %dot_general3A_138 : vector<128x16xf32>
      %swap3A = arith.index_cast %add3A_127 : i32 to index
      %swap3A_140 = arith.constant 0 : index
      %swap3A_141 = vector.load %arg4[%swap3A, %swap3A_140] : memref<10240x16xf32, #tpu.memory_space<vmem>>, vector<128x16xf32>
      tpu.vector_store %arg4[%swap3A, %swap3A_140], %add3A_139 {strides = array<i32>} : memref<10240x16xf32, #tpu.memory_space<vmem>>, vector<128x16xf32>,
    }
    %while3A_123 = arith.constant 1 : i32
    scf.for %while3A_124 = %while3A_121 to %while3A_117 step %while3A_123  : i32 {
      %mul3A_125 = arith.constant 128 : i32
      %mul3A_126 = arith.muli %while3A_124, %mul3A_125 : i32
      %add3A_127 = arith.addi %mul3A_87, %mul3A_126 : i32
      %iota3A_128 = tpu.iota {dimensions = array<i32: 0>} : vector<128x6400xi32>
      %sub3A_129 = vector.broadcast %add3A_127 : i32 to vector<1x6400xi32>
      %sub3A_130 = arith.subi %get3A_5, %sub3A_129 : vector<1x6400xi32>
      %eq3A_131 = vector.broadcast %sub3A_130 : vector<1x6400xi32> to vector<128x6400xi32>
      %eq3A_132 = arith.cmpi eq, %eq3A_131, %iota3A_128 : vector<128x6400xi32>
      %convert_element_type3A_133 = arith.extui %eq3A_132 : vector<128x6400xi1> to vector<128x6400xi32>
      %convert_element_type3A_134 = arith.sitofp %convert_element_type3A_133 : vector<128x6400xi32> to vector<128x6400xf32>
      %get3A_135 = arith.index_cast %add3A_127 : i32 to index
      %get3A_136 = arith.constant 0 : index
      %get3A_137 = vector.load %arg4[%get3A_135, %get3A_136] : memref<10240x16xf32, #tpu.memory_space<vmem>>, vector<128x16xf32>
      %dot_general3A = arith.constant dense<0.000000e+00> : vector<128x16xf32>
      %dot_general3A_138 = tpu.matmul %convert_element_type3A_134, %add3A_57, %dot_general3A {dimension_numbers = #tpu.dot_dimension_numbers<[1], [0], [0], [1], [0, 0, 1, 1], [], []>, transpose_lhs_hint = false} : vector<128x6400xf32>, vector<6400x16xf32>, vector<128x16xf32> -> vector<128x16xf32>
      %add3A_139 = arith.addf %get3A_137, %dot_general3A_138 : vector<128x16xf32>
      %swap3A = arith.index_cast %add3A_127 : i32 to index
      %swap3A_140 = arith.constant 0 : index
      %swap3A_141 = vector.load %arg4[%swap3A, %swap3A_140] : memref<10240x16xf32, #tpu.memory_space<vmem>>, vector<128x16xf32>
      tpu.vector_store %arg4[%swap3A, %swap3A_140], %add3A_139 {strides = array<i32>} : memref<10240x16xf32, #tpu.memory_space<vmem>>, vector<128x16xf32>,
    }
    return
  }
  func.func @transform_0(%arg0: i32) -> (i32, i32, i32) {
    %c0_i32 = arith.constant 0 : i32
    %c0_i32_0 = arith.constant 0 : i32
    %c0_i32_1 = arith.constant 0 : i32
    return %arg0, %c0_i32, %c0_i32_0 : i32, i32, i32
  }
  func.func @transform_1(%arg0: i32) -> (i32, i32) {
    %c0_i32 = arith.constant 0 : i32
    %c0_i32_0 = arith.constant 0 : i32
    return %arg0, %c0_i32 : i32, i32
  }
  func.func @transform_2(%arg0: i32) -> (i32, i32) {
    %c0_i32 = arith.constant 0 : i32
    %c0_i32_0 = arith.constant 0 : i32
    return %arg0, %c0_i32 : i32, i32
  }
  func.func @transform_3(%arg0: i32) -> (i32, i32) {
    %c0_i32 = arith.constant 0 : i32
    %c0_i32_0 = arith.constant 0 : i32
    %c0_i32_1 = arith.constant 0 : i32
    return %c0_i32, %c0_i32_0 : i32, i32
  }
}

module attributes {stable_mosaic.version = 14 : i64} {
  func.func @_epi_body(%arg0: memref<16x10240xf32, #tpu.memory_space<vmem>>, %arg1: memref<16x10240xf32, #tpu.memory_space<vmem>>) attributes {dimension_semantics = [], scalar_prefetch = 0 : i64, scratch_operands = 0 : i64, tpu.core_type = #tpu.core_type<tc>} {
    %get3A = arith.constant 6 : index
    %get3A_0 = arith.constant 0 : index
    %get3A_1 = vector.load %arg0[%get3A, %get3A_0] : memref<16x10240xf32, #tpu.memory_space<vmem>>, vector<1x10240xf32>
    %max3A = arith.constant 1.000000e+00 : f32
    %max3A_2 = vector.broadcast %max3A : f32 to vector<1x10240xf32>
    %max3A_3 = arith.maximumf %get3A_1, %max3A_2 : vector<1x10240xf32>
    %div3A = arith.constant 1.000000e+00 : f32
    %div3A_4 = vector.broadcast %div3A : f32 to vector<1x10240xf32>
    %div3A_5 = arith.divf %div3A_4, %max3A_3 : vector<1x10240xf32>
    %get3A_6 = arith.constant 0 : index
    %get3A_7 = arith.constant 0 : index
    %get3A_8 = vector.load %arg0[%get3A_6, %get3A_7] : memref<16x10240xf32, #tpu.memory_space<vmem>>, vector<1x10240xf32>
    %mul3A = arith.mulf %get3A_8, %div3A_5 : vector<1x10240xf32>
    %get3A_9 = arith.constant 1 : index
    %get3A_10 = arith.constant 0 : index
    %get3A_11 = vector.load %arg0[%get3A_9, %get3A_10] : memref<16x10240xf32, #tpu.memory_space<vmem>>, vector<1x10240xf32>
    %mul3A_12 = arith.mulf %get3A_11, %div3A_5 : vector<1x10240xf32>
    %get3A_13 = arith.constant 2 : index
    %get3A_14 = arith.constant 0 : index
    %get3A_15 = vector.load %arg0[%get3A_13, %get3A_14] : memref<16x10240xf32, #tpu.memory_space<vmem>>, vector<1x10240xf32>
    %mul3A_16 = arith.mulf %get3A_15, %div3A_5 : vector<1x10240xf32>
    %get3A_17 = arith.constant 10 : index
    %get3A_18 = arith.constant 0 : index
    %get3A_19 = vector.load %arg0[%get3A_17, %get3A_18] : memref<16x10240xf32, #tpu.memory_space<vmem>>, vector<1x10240xf32>
    %max3A_20 = arith.constant 1.000000e+00 : f32
    %max3A_21 = vector.broadcast %max3A_20 : f32 to vector<1x10240xf32>
    %max3A_22 = arith.maximumf %get3A_19, %max3A_21 : vector<1x10240xf32>
    %div3A_23 = arith.constant 1.000000e+00 : f32
    %div3A_24 = vector.broadcast %div3A_23 : f32 to vector<1x10240xf32>
    %div3A_25 = arith.divf %div3A_24, %max3A_22 : vector<1x10240xf32>
    %get3A_26 = arith.constant 3 : index
    %get3A_27 = arith.constant 0 : index
    %get3A_28 = vector.load %arg0[%get3A_26, %get3A_27] : memref<16x10240xf32, #tpu.memory_space<vmem>>, vector<1x10240xf32>
    %mul3A_29 = arith.mulf %get3A_28, %div3A_25 : vector<1x10240xf32>
    %get3A_30 = arith.constant 4 : index
    %get3A_31 = arith.constant 0 : index
    %get3A_32 = vector.load %arg0[%get3A_30, %get3A_31] : memref<16x10240xf32, #tpu.memory_space<vmem>>, vector<1x10240xf32>
    %mul3A_33 = arith.mulf %get3A_32, %div3A_25 : vector<1x10240xf32>
    %get3A_34 = arith.constant 5 : index
    %get3A_35 = arith.constant 0 : index
    %get3A_36 = vector.load %arg0[%get3A_34, %get3A_35] : memref<16x10240xf32, #tpu.memory_space<vmem>>, vector<1x10240xf32>
    %mul3A_37 = arith.mulf %get3A_36, %div3A_25 : vector<1x10240xf32>
    %abs3A = math.absf %mul3A_29 : vector<1x10240xf32>
    %abs3A_38 = math.absf %mul3A_33 : vector<1x10240xf32>
    %add3A = arith.addf %abs3A, %abs3A_38 : vector<1x10240xf32>
    %abs3A_39 = math.absf %mul3A_37 : vector<1x10240xf32>
    %add3A_40 = arith.addf %add3A, %abs3A_39 : vector<1x10240xf32>
    %lt3A = arith.constant 9.99999997E-7 : f32
    %lt3A_41 = vector.broadcast %lt3A : f32 to vector<1x10240xf32>
    %lt3A_42 = arith.cmpf olt, %add3A_40, %lt3A_41 : vector<1x10240xf32>
    %select_n3A = arith.select %lt3A_42, %mul3A, %mul3A_29 : vector<1x10240xi1>, vector<1x10240xf32>
    %select_n3A_43 = arith.select %lt3A_42, %mul3A_12, %mul3A_33 : vector<1x10240xi1>, vector<1x10240xf32>
    %select_n3A_44 = arith.select %lt3A_42, %mul3A_16, %mul3A_37 : vector<1x10240xi1>, vector<1x10240xf32>
    %sub3A = arith.subf %select_n3A, %mul3A : vector<1x10240xf32>
    %sub3A_45 = arith.subf %select_n3A_43, %mul3A_12 : vector<1x10240xf32>
    %sub3A_46 = arith.subf %select_n3A_44, %mul3A_16 : vector<1x10240xf32>
    %mul3A_47 = arith.mulf %sub3A, %sub3A : vector<1x10240xf32>
    %mul3A_48 = arith.mulf %sub3A_45, %sub3A_45 : vector<1x10240xf32>
    %add3A_49 = arith.addf %mul3A_47, %mul3A_48 : vector<1x10240xf32>
    %mul3A_50 = arith.mulf %sub3A_46, %sub3A_46 : vector<1x10240xf32>
    %add3A_51 = arith.addf %add3A_49, %mul3A_50 : vector<1x10240xf32>
    %sqrt3A = math.sqrt %add3A_51 : vector<1x10240xf32>
    %max3A_52 = arith.constant 9.99999997E-7 : f32
    %max3A_53 = vector.broadcast %max3A_52 : f32 to vector<1x10240xf32>
    %max3A_54 = arith.maximumf %sqrt3A, %max3A_53 : vector<1x10240xf32>
    %div3A_55 = arith.divf %sub3A, %max3A_54 : vector<1x10240xf32>
    %div3A_56 = arith.divf %sub3A_45, %max3A_54 : vector<1x10240xf32>
    %div3A_57 = arith.divf %sub3A_46, %max3A_54 : vector<1x10240xf32>
    %mul3A_58 = arith.mulf %div3A_55, %div3A_55 : vector<1x10240xf32>
    %mul3A_59 = arith.mulf %div3A_56, %div3A_56 : vector<1x10240xf32>
    %add3A_60 = arith.addf %mul3A_58, %mul3A_59 : vector<1x10240xf32>
    %sqrt3A_61 = math.sqrt %add3A_60 : vector<1x10240xf32>
    %lt3A_62 = arith.constant 9.99999997E-7 : f32
    %lt3A_63 = vector.broadcast %lt3A_62 : f32 to vector<1x10240xf32>
    %lt3A_64 = arith.cmpf olt, %sqrt3A_61, %lt3A_63 : vector<1x10240xf32>
    %neg3A = arith.constant 0.000000e+00 : f32
    %neg3A_65 = vector.broadcast %neg3A : f32 to vector<1x10240xf32>
    %neg3A_66 = arith.subf %neg3A_65, %div3A_57 : vector<1x10240xf32>
    %select_n3A_67 = arith.select %lt3A_64, %neg3A_66, %div3A_56 : vector<1x10240xi1>, vector<1x10240xf32>
    %neg3A_68 = arith.constant 0.000000e+00 : f32
    %neg3A_69 = vector.broadcast %neg3A_68 : f32 to vector<1x10240xf32>
    %neg3A_70 = arith.subf %neg3A_69, %div3A_55 : vector<1x10240xf32>
    %jit3A = arith.constant 0.000000e+00 : f32
    %broadcast_in_dim3A = vector.broadcast %jit3A : f32 to vector<1x10240xf32>
    %select_n3A_71 = arith.select %lt3A_64, %broadcast_in_dim3A, %neg3A_70 : vector<1x10240xi1>, vector<1x10240xf32>
    %jit3A_72 = arith.constant 0.000000e+00 : f32
    %broadcast_in_dim3A_73 = vector.broadcast %jit3A_72 : f32 to vector<1x10240xf32>
    %select_n3A_74 = arith.select %lt3A_64, %div3A_55, %broadcast_in_dim3A_73 : vector<1x10240xi1>, vector<1x10240xf32>
    %mul3A_75 = arith.mulf %select_n3A_67, %select_n3A_67 : vector<1x10240xf32>
    %mul3A_76 = arith.mulf %select_n3A_71, %select_n3A_71 : vector<1x10240xf32>
    %add3A_77 = arith.addf %mul3A_75, %mul3A_76 : vector<1x10240xf32>
    %mul3A_78 = arith.mulf %select_n3A_74, %select_n3A_74 : vector<1x10240xf32>
    %add3A_79 = arith.addf %add3A_77, %mul3A_78 : vector<1x10240xf32>
    %sqrt3A_80 = math.sqrt %add3A_79 : vector<1x10240xf32>
    %max3A_81 = arith.constant 9.99999997E-7 : f32
    %max3A_82 = vector.broadcast %max3A_81 : f32 to vector<1x10240xf32>
    %max3A_83 = arith.maximumf %sqrt3A_80, %max3A_82 : vector<1x10240xf32>
    %div3A_84 = arith.divf %select_n3A_67, %max3A_83 : vector<1x10240xf32>
    %div3A_85 = arith.divf %select_n3A_71, %max3A_83 : vector<1x10240xf32>
    %div3A_86 = arith.divf %select_n3A_74, %max3A_83 : vector<1x10240xf32>
    %mul3A_87 = arith.mulf %div3A_56, %div3A_86 : vector<1x10240xf32>
    %mul3A_88 = arith.mulf %div3A_57, %div3A_85 : vector<1x10240xf32>
    %sub3A_89 = arith.subf %mul3A_87, %mul3A_88 : vector<1x10240xf32>
    %mul3A_90 = arith.mulf %div3A_57, %div3A_84 : vector<1x10240xf32>
    %mul3A_91 = arith.mulf %div3A_55, %div3A_86 : vector<1x10240xf32>
    %sub3A_92 = arith.subf %mul3A_90, %mul3A_91 : vector<1x10240xf32>
    %mul3A_93 = arith.mulf %div3A_55, %div3A_85 : vector<1x10240xf32>
    %mul3A_94 = arith.mulf %div3A_56, %div3A_84 : vector<1x10240xf32>
    %sub3A_95 = arith.subf %mul3A_93, %mul3A_94 : vector<1x10240xf32>
    %iota3A = tpu.iota {dimensions = array<i32: 1>} : vector<1x10240xi32>
    %gt3A = arith.constant 9.99999997E-7 : f32
    %gt3A_96 = vector.broadcast %gt3A : f32 to vector<1x10240xf32>
    %gt3A_97 = arith.cmpf ogt, %sqrt3A, %gt3A_96 : vector<1x10240xf32>
    %gt3A_98 = arith.constant 9.99999997E-7 : f32
    %gt3A_99 = vector.broadcast %gt3A_98 : f32 to vector<1x10240xf32>
    %gt3A_100 = arith.cmpf ogt, %sqrt3A_80, %gt3A_99 : vector<1x10240xf32>
    %and3A = arith.andi %gt3A_97, %gt3A_100 : vector<1x10240xi1>
    %lt3A_101 = arith.constant 9999 : i32
    %lt3A_102 = vector.broadcast %lt3A_101 : i32 to vector<1x10240xi32>
    %lt3A_103 = arith.cmpi slt, %iota3A, %lt3A_102 : vector<1x10240xi32>
    %and3A_104 = arith.andi %and3A, %lt3A_103 : vector<1x10240xi1>
    %broadcast_in_dim3A_105 = arith.constant 1.000000e+00 : f32
    %broadcast_in_dim3A_106 = vector.broadcast %broadcast_in_dim3A_105 : f32 to vector<1x10240xf32>
    %broadcast_in_dim3A_107 = arith.constant 0.000000e+00 : f32
    %broadcast_in_dim3A_108 = vector.broadcast %broadcast_in_dim3A_107 : f32 to vector<1x10240xf32>
    %select_n3A_109 = arith.select %and3A_104, %div3A_55, %broadcast_in_dim3A_106 : vector<1x10240xi1>, vector<1x10240xf32>
    %swap3A = arith.constant 0 : index
    %swap3A_110 = arith.constant 0 : index
    %swap3A_111 = vector.load %arg1[%swap3A, %swap3A_110] : memref<16x10240xf32, #tpu.memory_space<vmem>>, vector<1x10240xf32>
    tpu.vector_store %arg1[%swap3A, %swap3A_110], %select_n3A_109 {strides = array<i32>} : memref<16x10240xf32, #tpu.memory_space<vmem>>, vector<1x10240xf32>,
    %select_n3A_112 = arith.select %and3A_104, %div3A_84, %broadcast_in_dim3A_108 : vector<1x10240xi1>, vector<1x10240xf32>
    %swap3A_113 = arith.constant 1 : index
    %swap3A_114 = arith.constant 0 : index
    %swap3A_115 = vector.load %arg1[%swap3A_113, %swap3A_114] : memref<16x10240xf32, #tpu.memory_space<vmem>>, vector<1x10240xf32>
    tpu.vector_store %arg1[%swap3A_113, %swap3A_114], %select_n3A_112 {strides = array<i32>} : memref<16x10240xf32, #tpu.memory_space<vmem>>, vector<1x10240xf32>,
    %select_n3A_116 = arith.select %and3A_104, %sub3A_89, %broadcast_in_dim3A_108 : vector<1x10240xi1>, vector<1x10240xf32>
    %swap3A_117 = arith.constant 2 : index
    %swap3A_118 = arith.constant 0 : index
    %swap3A_119 = vector.load %arg1[%swap3A_117, %swap3A_118] : memref<16x10240xf32, #tpu.memory_space<vmem>>, vector<1x10240xf32>
    tpu.vector_store %arg1[%swap3A_117, %swap3A_118], %select_n3A_116 {strides = array<i32>} : memref<16x10240xf32, #tpu.memory_space<vmem>>, vector<1x10240xf32>,
    %select_n3A_120 = arith.select %and3A_104, %div3A_56, %broadcast_in_dim3A_108 : vector<1x10240xi1>, vector<1x10240xf32>
    %swap3A_121 = arith.constant 3 : index
    %swap3A_122 = arith.constant 0 : index
    %swap3A_123 = vector.load %arg1[%swap3A_121, %swap3A_122] : memref<16x10240xf32, #tpu.memory_space<vmem>>, vector<1x10240xf32>
    tpu.vector_store %arg1[%swap3A_121, %swap3A_122], %select_n3A_120 {strides = array<i32>} : memref<16x10240xf32, #tpu.memory_space<vmem>>, vector<1x10240xf32>,
    %select_n3A_124 = arith.select %and3A_104, %div3A_85, %broadcast_in_dim3A_106 : vector<1x10240xi1>, vector<1x10240xf32>
    %swap3A_125 = arith.constant 4 : index
    %swap3A_126 = arith.constant 0 : index
    %swap3A_127 = vector.load %arg1[%swap3A_125, %swap3A_126] : memref<16x10240xf32, #tpu.memory_space<vmem>>, vector<1x10240xf32>
    tpu.vector_store %arg1[%swap3A_125, %swap3A_126], %select_n3A_124 {strides = array<i32>} : memref<16x10240xf32, #tpu.memory_space<vmem>>, vector<1x10240xf32>,
    %select_n3A_128 = arith.select %and3A_104, %sub3A_92, %broadcast_in_dim3A_108 : vector<1x10240xi1>, vector<1x10240xf32>
    %swap3A_129 = arith.constant 5 : index
    %swap3A_130 = arith.constant 0 : index
    %swap3A_131 = vector.load %arg1[%swap3A_129, %swap3A_130] : memref<16x10240xf32, #tpu.memory_space<vmem>>, vector<1x10240xf32>
    tpu.vector_store %arg1[%swap3A_129, %swap3A_130], %select_n3A_128 {strides = array<i32>} : memref<16x10240xf32, #tpu.memory_space<vmem>>, vector<1x10240xf32>,
    %select_n3A_132 = arith.select %and3A_104, %div3A_57, %broadcast_in_dim3A_108 : vector<1x10240xi1>, vector<1x10240xf32>
    %swap3A_133 = arith.constant 6 : index
    %swap3A_134 = arith.constant 0 : index
    %swap3A_135 = vector.load %arg1[%swap3A_133, %swap3A_134] : memref<16x10240xf32, #tpu.memory_space<vmem>>, vector<1x10240xf32>
    tpu.vector_store %arg1[%swap3A_133, %swap3A_134], %select_n3A_132 {strides = array<i32>} : memref<16x10240xf32, #tpu.memory_space<vmem>>, vector<1x10240xf32>,
    %select_n3A_136 = arith.select %and3A_104, %div3A_86, %broadcast_in_dim3A_108 : vector<1x10240xi1>, vector<1x10240xf32>
    %swap3A_137 = arith.constant 7 : index
    %swap3A_138 = arith.constant 0 : index
    %swap3A_139 = vector.load %arg1[%swap3A_137, %swap3A_138] : memref<16x10240xf32, #tpu.memory_space<vmem>>, vector<1x10240xf32>
    tpu.vector_store %arg1[%swap3A_137, %swap3A_138], %select_n3A_136 {strides = array<i32>} : memref<16x10240xf32, #tpu.memory_space<vmem>>, vector<1x10240xf32>,
    %select_n3A_140 = arith.select %and3A_104, %sub3A_95, %broadcast_in_dim3A_106 : vector<1x10240xi1>, vector<1x10240xf32>
    %swap3A_141 = arith.constant 8 : index
    %swap3A_142 = arith.constant 0 : index
    %swap3A_143 = vector.load %arg1[%swap3A_141, %swap3A_142] : memref<16x10240xf32, #tpu.memory_space<vmem>>, vector<1x10240xf32>
    tpu.vector_store %arg1[%swap3A_141, %swap3A_142], %select_n3A_140 {strides = array<i32>} : memref<16x10240xf32, #tpu.memory_space<vmem>>, vector<1x10240xf32>,
    %get3A_144 = arith.constant 7 : index
    %get3A_145 = arith.constant 0 : index
    %get3A_146 = vector.load %arg0[%get3A_144, %get3A_145] : memref<16x10240xf32, #tpu.memory_space<vmem>>, vector<1x10240xf32>
    %ge3A = arith.constant 3.000000e+00 : f32
    %ge3A_147 = vector.broadcast %ge3A : f32 to vector<1x10240xf32>
    %ge3A_148 = arith.cmpf oge, %get3A_146, %ge3A_147 : vector<1x10240xf32>
    %get3A_149 = arith.constant 8 : index
    %get3A_150 = arith.constant 0 : index
    %get3A_151 = vector.load %arg0[%get3A_149, %get3A_150] : memref<16x10240xf32, #tpu.memory_space<vmem>>, vector<1x10240xf32>
    %gt3A_152 = arith.constant 0.000000e+00 : f32
    %gt3A_153 = vector.broadcast %gt3A_152 : f32 to vector<1x10240xf32>
    %gt3A_154 = arith.cmpf ogt, %get3A_151, %gt3A_153 : vector<1x10240xf32>
    %and3A_155 = arith.andi %ge3A_148, %gt3A_154 : vector<1x10240xi1>
    %gt3A_156 = arith.constant 0.000000e+00 : f32
    %gt3A_157 = vector.broadcast %gt3A_156 : f32 to vector<1x10240xf32>
    %gt3A_158 = arith.cmpf ogt, %get3A_1, %gt3A_157 : vector<1x10240xf32>
    %and3A_159 = arith.andi %and3A_155, %gt3A_158 : vector<1x10240xi1>
    %get3A_160 = arith.constant 9 : index
    %get3A_161 = arith.constant 0 : index
    %get3A_162 = vector.load %arg0[%get3A_160, %get3A_161] : memref<16x10240xf32, #tpu.memory_space<vmem>>, vector<1x10240xf32>
    %gt3A_163 = arith.constant 0.000000e+00 : f32
    %gt3A_164 = vector.broadcast %gt3A_163 : f32 to vector<1x10240xf32>
    %gt3A_165 = arith.cmpf ogt, %get3A_162, %gt3A_164 : vector<1x10240xf32>
    %and3A_166 = arith.andi %and3A_159, %gt3A_165 : vector<1x10240xi1>
    %convert_element_type3A = arith.extui %and3A_166 : vector<1x10240xi1> to vector<1x10240xi32>
    %convert_element_type3A_167 = arith.sitofp %convert_element_type3A : vector<1x10240xi32> to vector<1x10240xf32>
    %swap3A_168 = arith.constant 9 : index
    %swap3A_169 = arith.constant 0 : index
    %swap3A_170 = vector.load %arg1[%swap3A_168, %swap3A_169] : memref<16x10240xf32, #tpu.memory_space<vmem>>, vector<1x10240xf32>
    tpu.vector_store %arg1[%swap3A_168, %swap3A_169], %convert_element_type3A_167 {strides = array<i32>} : memref<16x10240xf32, #tpu.memory_space<vmem>>, vector<1x10240xf32>,
    %swap3A_171 = arith.constant 10 : index
    %swap3A_172 = arith.constant 0 : index
    %swap3A_173 = vector.load %arg1[%swap3A_171, %swap3A_172] : memref<16x10240xf32, #tpu.memory_space<vmem>>, vector<1x10240xf32>
    tpu.vector_store %arg1[%swap3A_171, %swap3A_172], %mul3A {strides = array<i32>} : memref<16x10240xf32, #tpu.memory_space<vmem>>, vector<1x10240xf32>,
    %swap3A_174 = arith.constant 11 : index
    %swap3A_175 = arith.constant 0 : index
    %swap3A_176 = vector.load %arg1[%swap3A_174, %swap3A_175] : memref<16x10240xf32, #tpu.memory_space<vmem>>, vector<1x10240xf32>
    tpu.vector_store %arg1[%swap3A_174, %swap3A_175], %mul3A_12 {strides = array<i32>} : memref<16x10240xf32, #tpu.memory_space<vmem>>, vector<1x10240xf32>,
    %swap3A_177 = arith.constant 12 : index
    %swap3A_178 = arith.constant 0 : index
    %swap3A_179 = vector.load %arg1[%swap3A_177, %swap3A_178] : memref<16x10240xf32, #tpu.memory_space<vmem>>, vector<1x10240xf32>
    tpu.vector_store %arg1[%swap3A_177, %swap3A_178], %mul3A_16 {strides = array<i32>} : memref<16x10240xf32, #tpu.memory_space<vmem>>, vector<1x10240xf32>,
    %swap3A_180 = arith.constant 13 : index
    %swap3A_181 = arith.constant 0 : index
    %swap3A_182 = vector.load %arg1[%swap3A_180, %swap3A_181] : memref<16x10240xf32, #tpu.memory_space<vmem>>, vector<1x10240xf32>
    tpu.vector_store %arg1[%swap3A_180, %swap3A_181], %select_n3A {strides = array<i32>} : memref<16x10240xf32, #tpu.memory_space<vmem>>, vector<1x10240xf32>,
    %swap3A_183 = arith.constant 14 : index
    %swap3A_184 = arith.constant 0 : index
    %swap3A_185 = vector.load %arg1[%swap3A_183, %swap3A_184] : memref<16x10240xf32, #tpu.memory_space<vmem>>, vector<1x10240xf32>
    tpu.vector_store %arg1[%swap3A_183, %swap3A_184], %select_n3A_43 {strides = array<i32>} : memref<16x10240xf32, #tpu.memory_space<vmem>>, vector<1x10240xf32>,
    %swap3A_186 = arith.constant 15 : index
    %swap3A_187 = arith.constant 0 : index
    %swap3A_188 = vector.load %arg1[%swap3A_186, %swap3A_187] : memref<16x10240xf32, #tpu.memory_space<vmem>>, vector<1x10240xf32>
    tpu.vector_store %arg1[%swap3A_186, %swap3A_187], %select_n3A_44 {strides = array<i32>} : memref<16x10240xf32, #tpu.memory_space<vmem>>, vector<1x10240xf32>,
    return
  }
}

module attributes {stable_mosaic.version = 14 : i64} {
  func.func @_comb_body(%arg0: memref<4x5376x128xf32, #tpu.memory_space<vmem>>, %arg1: memref<10240x16xf32, #tpu.memory_space<vmem>>, %arg2: memref<10240x128xf32, #tpu.memory_space<vmem>>) attributes {dimension_semantics = [], scalar_prefetch = 0 : i64, scratch_operands = 0 : i64, tpu.core_type = #tpu.core_type<tc>} {
    %get3A = arith.constant 0 : index
    %get3A_0 = arith.constant 6 : index
    %get3A_1 = vector.load %arg1[%get3A, %get3A_0] : memref<10240x16xf32, #tpu.memory_space<vmem>>, vector<10240x1xf32>
    %max3A = arith.constant 1.000000e+00 : f32
    %max3A_2 = vector.broadcast %max3A : f32 to vector<10240x1xf32>
    %max3A_3 = arith.maximumf %get3A_1, %max3A_2 : vector<10240x1xf32>
    %div3A = arith.constant 1.000000e+00 : f32
    %div3A_4 = vector.broadcast %div3A : f32 to vector<10240x1xf32>
    %div3A_5 = arith.divf %div3A_4, %max3A_3 : vector<10240x1xf32>
    %get3A_6 = arith.constant 0 : index
    %get3A_7 = arith.constant 0 : index
    %get3A_8 = arith.constant 0 : index
    %get3A_9 = vector.load %arg0[%get3A_6, %get3A_7, %get3A_8] : memref<4x5376x128xf32, #tpu.memory_space<vmem>>, vector<1x5120x128xf32>
    %get3A_10 = vector.shape_cast %get3A_9 : vector<1x5120x128xf32> to vector<5120x128xf32>
    %get3A_11 = arith.constant 2 : index
    %get3A_12 = arith.constant 0 : index
    %get3A_13 = arith.constant 0 : index
    %get3A_14 = vector.load %arg0[%get3A_11, %get3A_12, %get3A_13] : memref<4x5376x128xf32, #tpu.memory_space<vmem>>, vector<1x5120x128xf32>
    %get3A_15 = vector.shape_cast %get3A_14 : vector<1x5120x128xf32> to vector<5120x128xf32>
    %add3A = arith.addf %get3A_10, %get3A_15 : vector<5120x128xf32>
    %slice3A = vector.extract_strided_slice %div3A_5 {offsets = [0, 0], sizes = [5120, 1], strides = [1, 1]} : vector<10240x1xf32> to vector<5120x1xf32>
    %mul3A = vector.broadcast %slice3A : vector<5120x1xf32> to vector<5120x128xf32>
    %mul3A_16 = arith.mulf %add3A, %mul3A : vector<5120x128xf32>
    %swap3A = arith.constant 0 : index
    %swap3A_17 = arith.constant 0 : index
    %swap3A_18 = vector.load %arg2[%swap3A, %swap3A_17] : memref<10240x128xf32, #tpu.memory_space<vmem>>, vector<5120x128xf32>
    tpu.vector_store %arg2[%swap3A, %swap3A_17], %mul3A_16 {strides = array<i32>} : memref<10240x128xf32, #tpu.memory_space<vmem>>, vector<5120x128xf32>,
    %get3A_19 = arith.constant 1 : index
    %get3A_20 = arith.constant 0 : index
    %get3A_21 = arith.constant 0 : index
    %get3A_22 = vector.load %arg0[%get3A_19, %get3A_20, %get3A_21] : memref<4x5376x128xf32, #tpu.memory_space<vmem>>, vector<1x5120x128xf32>
    %get3A_23 = vector.shape_cast %get3A_22 : vector<1x5120x128xf32> to vector<5120x128xf32>
    %get3A_24 = arith.constant 3 : index
    %get3A_25 = arith.constant 0 : index
    %get3A_26 = arith.constant 0 : index
    %get3A_27 = vector.load %arg0[%get3A_24, %get3A_25, %get3A_26] : memref<4x5376x128xf32, #tpu.memory_space<vmem>>, vector<1x5120x128xf32>
    %get3A_28 = vector.shape_cast %get3A_27 : vector<1x5120x128xf32> to vector<5120x128xf32>
    %add3A_29 = arith.addf %get3A_23, %get3A_28 : vector<5120x128xf32>
    %slice3A_30 = vector.extract_strided_slice %div3A_5 {offsets = [5120, 0], sizes = [5120, 1], strides = [1, 1]} : vector<10240x1xf32> to vector<5120x1xf32>
    %mul3A_31 = vector.broadcast %slice3A_30 : vector<5120x1xf32> to vector<5120x128xf32>
    %mul3A_32 = arith.mulf %add3A_29, %mul3A_31 : vector<5120x128xf32>
    %swap3A_33 = arith.constant 5120 : index
    %swap3A_34 = arith.constant 0 : index
    %swap3A_35 = vector.load %arg2[%swap3A_33, %swap3A_34] : memref<10240x128xf32, #tpu.memory_space<vmem>>, vector<5120x128xf32>
    tpu.vector_store %arg2[%swap3A_33, %swap3A_34], %mul3A_32 {strides = array<i32>} : memref<10240x128xf32, #tpu.memory_space<vmem>>, vector<5120x128xf32>,
    return
  }
}

</mosaic_0001>

<sc_bundles>
// kernel: kernel.6.cloned.1.call-start
scs
__scs_entry_jumppad:
0x0: {  	(pc) =	sbr.rel $0x88, $3  }
0x1: {  	(tag) =	ssettag $0x0;
	lr =	simm.s32 $0x1  }
0x2: {  	[smem:$0x3F9D] =	sst lr;
	_ =	strace $0xD0000000  }
0x3: {  	_ = 	snop  }
0x4: {  	_ = 	snop  }
0x5: {  	_ = 	snop  }
0x6: {  	_ = 	snop  }
0x7: {  	_ = 	snop  }
__scs_overlays_trampoline_lowered:
0x8: {  	[smem:$0x3FAC] =	sst s0  }
0x9: {  	[smem:$0x3FAD] =	sst s1  }
0xa: {  	[smem:$0x3FAE] =	sst s2  }
0xb: {  	[smem:$0x3FAF] =	sst s3  }
0xc: {  	[smem:$0x3FB0] =	sst s4  }
0xd: {  	[smem:$0x3FB1] =	sst s5  }
0xe: {  	[smem:$0x3FB2] =	sst s6  }
0xf: {  	[smem:$0x3FB3] =	sst s7  }
0x10: {  	[smem:$0x3FB4] =	sst s8  }
0x11: {  	[smem:$0x3FB5] =	sst s9;
	s0 =	simm.s32 @!p0 $0x0  }
0x12: {  	s1 =	sld [smem:$0x3F9B];
	s0 =	simm.s32 @p0 $0x1  }
0x13: {  	[smem:$0x3FB6] =	sst s0;
	s0 =	simm.s32 @!p1 $0x0  }
0x14: {  	s2 =	sld [smem:$0x3F9A];
	s0 =	simm.s32 @p1 $0x1  }
0x15: {  	[smem:$0x3FB7] =	sst s0;
	s0 =	simm.s32 @!p2 $0x0  }
0x16: {  	s3 =	sld [smem:$0x3FDB];
	s0 =	simm.s32 @p2 $0x1  }
0x17: {  	s4 =	simm.s32 $0x1BF5;
	[smem:$0x3FB9] =	sst s0  }
0x18: {  	s0 =	sld [smem:$0x3F9C];
	_ =	swait.ge [sflag:s4], $0x0  }
0x19: {  	s7 =	sld [smem:$0x3F9D]  }
0x1a: {  	s8 =	sadd.s32 $0xFFFFE003, lr  }
0x1b: {  	s9 =	sadd.s32 $0xFFFFFEF7, lr;
	s5 =	simm.s32 $0xFFFFFFFF;
	p2 =	slt.u32 s8, $0xFFFFF086  }
0x1c: {  	p1 =	slt.u32 s9, $0xF7A;
	s5 =	simm.s32 @!p2 $0x0  }
0x1d: {  	s5 =	simm.s32 @p1 $0x1;
	p0 =	seq.s32 s7, s2  }
0x1e: {  	s7 =	smul.u32 @!p0 $0xF7A, s2;
	p2 =	seq.s32 @!p0 s5, $0x0  }
0x1f: {  	s9 =	smul.u32 $0xF7A, s1;
	s8 =	simm.s32 @!p0 $0x1BF5;
	p2 =	por !p2, p0  }
0x20: {  	[sflag:s8] =	ssyncset.s32 @!p0 $0xFFFFF086;
	s6 =	sadd.s32 @!p0 s3, s7;
	s7 =	simm.s32 @!p0 $0x108  }
0x21: {  	s3 =	sadd.s32 s3, s9;
	s6 =	sadd.s32 @!p0 $0x88, s6;
	s7 =	simm.s32 @p2 $0x1082  }
0x22: {  	[simem:s7], [sflag:s8] =	dma.local @!p0 [hbm:s6], $0xF7A  }
0x23: {  	s9 =	sor.u32 $0xD0000000, s2;
	s6 =	simm.s32 $0x108;
	_ =	swait.ge @!p0 [sflag:s8], $0x0  }
0x24: {  	s3 =	sadd.s32 $0x88, s3;
	s6 =	simm.s32 @!p1 $0x1082;
	[sflag:s4] =	ssyncset.s32 $0xFFFFF086  }
0x25: {  	[simem:s6], [sflag:s4] =	dma.local [hbm:s3], $0xF7A  }
0x26: {  	[smem:$0x3F9D] =	sst s1;
	(tag) =	ssettag s2;
	_ =	strace s9  }
0x27: {  	s1 =	sld [smem:$0x3FAD]  }
0x28: {  	s2 =	sld [smem:$0x3FAE]  }
0x29: {  	s4 =	sld [smem:$0x3FB0]  }
0x2a: {  	p0 =	seq.s32 s5, $0x0;
	s5 =	sld [smem:$0x3FB1]  }
0x2b: {  	s6 =	sld [smem:$0x3FB2]  }
0x2c: {  	s7 =	sld [smem:$0x3FB3]  }
0x2d: {  	s3 =	simm.s32 $0x108;
	s8 =	sld [smem:$0x3FB4]  }
0x2e: {  	s3 =	simm.s32 @!p0 $0x1082;
	s9 =	sld [smem:$0x3FB5]  }
0x2f: {  	lr =	sadd.s32 s0, s3;
	s0 =	sld [smem:$0x3FAC]  }
0x30: {  	s3 =	sld [smem:$0x3FAF]  }
0x31: {  	[smem:$0x3FB8] =	sst s10  }
0x32: {  	s10 =	sld [smem:$0x3FB6];
	_ =	sdelay $0x3  }
0x33: {  	p0 =	seq.s32 s10, $0x1;
	s10 =	sld [smem:$0x3FB8];
	_ =	sdelay $0x3  }
0x34: {  	[smem:$0x3FB8] =	sst s10  }
0x35: {  	s10 =	sld [smem:$0x3FB7];
	_ =	sdelay $0x3  }
0x36: {  	p1 =	seq.s32 s10, $0x1;
	s10 =	sld [smem:$0x3FB8];
	_ =	sdelay $0x3  }
0x37: {  	[smem:$0x3FB8] =	sst s10  }
0x38: {  	s10 =	sld [smem:$0x3FB9]  }
0x39: {  	_ = 	snop;
	(pc) =	sbr.ind lr, $3  }
0x3a: {  	_ = 	snop  }
0x3b: {  	_ = 	snop  }
0x3c: {  	p2 =	seq.s32 s10, $0x1;
	s10 =	sld [smem:$0x3FB8]  }
0x3d: {  	_ =	shalt  }
0x3e: {  	_ =	shalt  }
0x3f: {  	_ =	shalt  }
0x40: {  	_ =	shalt  }
0x41: {  	_ =	shalt  }
0x42: {  	_ =	shalt  }
0x43: {  	_ =	shalt  }
0x44: {  	_ =	shalt  }
0x45: {  	_ =	shalt  }
0x46: {  	_ =	shalt  }
0x47: {  	_ =	shalt  }
0x48: {  	_ =	shalt  }
0x49: {  	_ =	shalt  }
0x4a: {  	_ =	shalt  }
0x4b: {  	_ =	shalt  }
0x4c: {  	_ =	shalt  }
0x4d: {  	_ =	shalt  }
0x4e: {  	_ =	shalt  }
0x4f: {  	_ =	shalt  }
0x50: {  	_ =	shalt  }
0x51: {  	_ =	shalt  }
0x52: {  	_ =	shalt  }
0x53: {  	_ =	shalt  }
0x54: {  	_ =	shalt  }
0x55: {  	_ =	shalt  }
0x56: {  	_ =	shalt  }
0x57: {  	_ =	shalt  }
0x58: {  	_ =	shalt  }
0x59: {  	_ =	shalt  }
0x5a: {  	_ =	shalt  }
0x5b: {  	_ =	shalt  }
0x5c: {  	_ =	shalt  }
0x5d: {  	_ =	shalt  }
0x5e: {  	_ =	shalt  }
0x5f: {  	_ =	shalt  }
0x60: {  	_ =	shalt  }
0x61: {  	_ =	shalt  }
0x62: {  	_ =	shalt  }
0x63: {  	_ =	shalt  }
0x64: {  	_ =	shalt  }
0x65: {  	_ =	shalt  }
0x66: {  	_ =	shalt  }
0x67: {  	_ =	shalt  }
0x68: {  	_ =	shalt  }
0x69: {  	_ =	shalt  }
0x6a: {  	_ =	shalt  }
0x6b: {  	_ =	shalt  }
0x6c: {  	_ =	shalt  }
0x6d: {  	_ =	shalt  }
0x6e: {  	_ =	shalt  }
0x6f: {  	_ =	shalt  }
0x70: {  	_ =	shalt  }
0x71: {  	_ =	shalt  }
0x72: {  	_ =	shalt  }
0x73: {  	_ =	shalt  }
0x74: {  	_ =	shalt  }
0x75: {  	_ =	shalt  }
0x76: {  	_ =	shalt  }
0x77: {  	_ =	shalt  }
0x78: {  	_ =	shalt  }
0x79: {  	_ =	shalt  }
0x7a: {  	_ =	shalt  }
0x7b: {  	_ =	shalt  }
0x7c: {  	_ =	shalt  }
0x7d: {  	_ =	shalt  }
0x7e: {  	_ =	shalt  }
0x7f: {  	_ =	shalt  }
0x80: {  	_ =	shalt  }
0x81: {  	_ =	shalt  }
0x82: {  	_ =	shalt  }
0x83: {  	_ =	shalt  }
0x84: {  	_ =	shalt  }
0x85: {  	_ =	shalt  }
0x86: {  	_ =	shalt  }
0x87: {  	_ =	shalt  }
.Lfunc_end0:
.L_simem_size_0:
called_computation_lowered:
.L_overlay_start_0:
0x88: {  	s2 =	sld [smem:$0x3FD9]  }
0x89: {  	s3 =	sld [smem:$0x3FFE];
	_ =	sdelay $0x1  }
0x8a: {  	s1 =	srdreg.scid  }
0x8b: {  	s0 =	sand.u32 $0x1, s1  }
0x8c: {  	s17 =	sshll.u32 s0, $0xA;
	s2 =	sadd.s32 s3, s2  }
0x8d: {  	s2 =	sadd.s32 s2, s17  }
0x8e: {  	[smem:$0x3FC4] =	sst s2  }
0x8f: {  	_ = 	snop  }
0x90: {  	s2 =	sld [smem:$0x3FC9]  }
0x91: {  	s18 =	sld [smem:$0x3FC7]  }
0x92: {  	s4 =	sld [smem:$0x3FC6];
	(tm) =	ssettm $0x1  }
0x93: {  	s5 =	sld [smem:$0x3FFB];
	_ =	sdelay $0x3  }
0x94: {  	_ =	strace s5  }
0x95: {  	s5 =	sld [smem:$0x3FFC];
	_ =	sdelay $0x3  }
0x96: {  	_ =	strace s5  }
0x97: {  	s5 =	sld [smem:$0x3FFD];
	_ =	sdelay $0x3  }
0x98: {  	_ =	strace s5  }
0x99: {  	_ =	strace $0x8FFFFFFF  }
0x9a: {  	s19 =	sld [smem:$0x3FDB];
	_ =	sdelay $0x1  }
0x9b: {  	s6 =	simm.s32 $_scs_section_size  }
0x9c: {  	s7 =	simm.s32 $_size__tile_overlayer_lowered;
	s8 =	simm.s32 $_tile_overlayer_lowered  }
0x9d: {  	s22 =	simm.s32 $0x1BFF;
	s21 =	sshll.u32 s8, $0x1;
	s5 =	sadd.s32 s6, s19  }
0x9e: {  	s9 =	simm.s32 $0x0;
	s20 =	sshll.u32 s7, $0x1;
	s7 =	sadd.s32 s21, s5  }
0x9f: {  	[timem:s9], [sflag:s22] =	dma.local [hbm:s7], s20  }
0xa0: {  	_ =	swait.ge [sflag:s22], s20  }
0xa1: {  	s6 =	ssub.s32 $0x0, s20;
	[sflag:s22] =	ssyncset.done $0x0  }
0xa2: {  	[sflag:s22] =	ssyncadd.s32 s6;
	_ =	sdelay $0x1  }
0xa3: {  	s23 =	simm.s32 $0x1B8B  }
0xa4: {  	_ =	swait.ge [sflag:s23], $0x1  }
0xa5: {  	[sflag:s23] =	ssyncset.done $0x0  }
0xa6: {  	s25 =	simm.s32 $0x1B8E;
	s24 =	sld [smem:$0x3FFE];
	[sflag:s23] =	ssyncadd.s32 $0xFFFFFFFF  }
0xa7: {  	s26 =	simm.s32 $execute0_lowered;
	[smem:$0x3FD2] =	sst s25  }
0xa8: {  	s7 =	sshll.u32 s26, $0x1;
	_ =	strace $0x80000046;
	[dreg:$0x1] =	wrdreg $0xFFFFFFFF  }
0xa9: {  	s28 =	simm.s32 $_size_execute0_lowered;
	s5 =	sadd.s32 s5, s7;
	[dreg:$0x0] =	wrdreg $0x0  }
0xaa: {  	s7 =	sshll.u32 s28, $0x1;
	[dreg:$0x2] =	wrdreg s5  }
0xab: {  	[dreg:$0x3] =	wrdreg s7  }
0xac: {  	[dreg:$0x4] =	wrdreg $0xC0  }
0xad: {  	_ =	task [dreg:s9], $0x5FFFF  }
0xae: {  	[dreg:$0x1] =	wrdreg $0xFFFFFFFF  }
0xaf: {  	[dreg:$0x0] =	wrdreg $0x60  }
0xb0: {  	[dreg:$0x2] =	wrdreg s2  }
0xb1: {  	[dreg:$0x3] =	wrdreg s18  }
0xb2: {  	[dreg:$0x4] =	wrdreg s4  }
0xb3: {  	[dreg:$0x5] =	wrdreg s24  }
0xb4: {  	[dreg:$0x6] =	wrdreg $0x14F000  }
0xb5: {  	[dreg:$0x7] =	wrdreg $0x9  }
0xb6: {  	_ =	task.clear_ibuf [dreg:s9], $0x8FFFF;
	_ =	strace $0x90000046  }
0xb7: {  	s29 =	simm.s32 $0x9;
	_ =	strace $0x80000048  }
0xb8: {  	_ =	swait.ge [sflag:s29], $0x1  }
0xb9: {  	[sflag:s29] =	ssyncadd.s32 $0xFFFFFFFF  }
0xba: {  	_ =	strace $0x90000048  }
0xbb: {  	_ =	sfence  }
0xbc: {  	s30 =	sld [smem:$0x0];
	_ =	sdelay $0x2  }
0xbd: {  	s31 =	sshll.u32 s1, $0xD;
	s1 =	sshrl.u32 s1, $0x2  }
0xbe: {  	s3 =	sand.u32 $0x4000, s31;
	s1 =	sadd.s32 s1, s30  }
0xbf: {  	s0 =	sor.u32 s3, s0;
	s1 =	sshll.u32 s1, $0x11  }
0xc0: {  	s0 =	sor.u32 s1, s0  }
0xc1: {  	s0 =	sadd.s32 $0x8F2B, s0  }
0xc2: {  	[sflag:s0] =	ssyncadd.remote.s32 $0x1  }
0xc3: {  	_ =	sfence.sel $0xFFFF  }
0xc4: {  	[dreg:$0x0] =	wrdreg $0xFFFFFFFF;
	(pc) =	sbr.abs _section_cstart, $3  }
0xc5: {  	[dreg:$0x1] =	wrdreg $0xFFFFFFFF  }
0xc6: {  	_ =	task.clear_ibuf [dreg:s9], $0x2FFFF;
	_ =	strace $0x9FFFFFFF  }
0xc7: {  	(tm) =	ssettm $0x7FFFFFFF  }
tec
execute0_lowered:
.L_overlay_start_1:
0x0: {  	(tag) =	ssettag $0x1  }
0x1: {  	s0 =	rddreg [dreg:$0x0]  }
0x2: {  	s1 =	rddreg [dreg:$0x1]  }
0x3: {  	s2 =	rddreg [dreg:$0x2];
	s10 =	stileid.u32  }
0x4: {  	s5 =	srdreg.scid;
	s6 =	smul.u32 $0x150, s10  }
0x5: {  	s4 =	rddreg [dreg:$0x3];
	s5 =	sand.u32 $0x1, s5;
	s24 =	smul.u32 $0x2A000, s10  }
0x6: {  	s3 =	rddreg [dreg:$0x4];
	s21 =	smul.u32 $0x2710, s10;
	s8 =	sshll.u32 s5, $0x4  }
0x7: {  	s9 =	simm.s32 $0x0;
	s7 =	smul.u32 $0x2A00, s5;
	s8 =	sor.u32 s10, s8  }
0x8: {  	[smem:$0x7FF] =	sst s9;
	s22 =	smul.u32 $0x2710, s8  }
0x9: {  	_ =	strace $0x80000047;
	s23 =	ssub.s32 $0x2, s5;
	s18 =	smul.u32 $0x27100, s5  }
0xa: {  	s5 =	simm.s32 $0x7700;
	s6 =	sadd.s32 s6, s7;
	s7 =	sshrl.u32 s22, $0x3  }
0xb: {  	s25 =	sshrl.u32 s23, $0x1;
	s6 =	sshll.u32 s6, $0x4;
	s1 =	sadd.s32 s1, s7  }
0xc: {  	s4 =	sadd.s32 s6, s4;
	s2 =	sadd.s32 s2, s7;
	[dreg:$0x6] =	wrdreg s1  }
0xd: {  	s26 =	sshrl.u32 s24, $0x2;
	s8 =	sadd.s32 $0xC00, s4;
	[dreg:$0x7] =	wrdreg s2  }
0xe: {  	s6 =	ssub.s32 s23, s25;
	s9 =	sadd.s32 $0x15C00, s4;
	[dreg:$0x8] =	wrdreg s8  }
0xf: {  	s7 =	sadd.s32 s26, s3;
	s11 =	smax.u32 s6, $0x1;
	[dreg:$0x9] =	wrdreg s9  }
0x10: {  	s10 =	simm.s32 $0x80;
	[dreg:$0xa] =	wrdreg s11;
	s12 =	sadd.s32 $0x800, s7  }
0x11: {  	s4 =	simm.s32 $0x4F00;
	s13 =	sadd.s32 $0x1000, s7;
	[dreg:$0xb] =	wrdreg s12  }
0x12: {  	s6 =	simm.s32 $0x9F00;
	s14 =	sadd.s32 $0x1800, s7;
	[dreg:$0xc] =	wrdreg s13  }
0x13: {  	s15 =	sadd.s32 $0x2000, s7;
	s16 =	sadd.s32 $0x2800, s7;
	[dreg:$0xd] =	wrdreg s14  }
0x14: {  	s17 =	sadd.s32 $0x3000, s7;
	s19 =	sadd.s32 $0x3800, s7;
	[dreg:$0xe] =	wrdreg s15  }
0x15: {  	s20 =	sadd.s32 $0x4000, s7;
	s22 =	sadd.s32 $0x4800, s7;
	[dreg:$0xf] =	wrdreg s16  }
0x16: {  	s23 =	sadd.s32 $0x5000, s7;
	s24 =	sadd.s32 $0x5800, s7;
	[dreg:$0x10] =	wrdreg s17  }
0x17: {  	s25 =	sadd.s32 $0x6000, s7;
	s26 =	sadd.s32 $0x6800, s7;
	[dreg:$0x11] =	wrdreg s19  }
0x18: {  	s28 =	sadd.s32 $0x8000, s7;
	s29 =	sadd.s32 $0x8800, s7;
	[dreg:$0x12] =	wrdreg s20  }
0x19: {  	s30 =	sadd.s32 $0x9000, s7;
	s31 =	sadd.s32 $0x9800, s7;
	[dreg:$0x13] =	wrdreg s22  }
0x1a: {  	s1 =	sadd.s32 $0xA000, s7;
	s2 =	simm.s32 $0x5;
	[dreg:$0x14] =	wrdreg s23  }
.Ltmp0:
0x1b: {  	s8 =	simm.s32 $0x14700;
	[dreg:$0x15] =	wrdreg s24;
	(pc) =	sbr.rel .LBB2_1-.Ltmp0, $4  }
0x1c: {  	s9 =	simm.s32 $0x1;
	s11 =	simm.s32 $0xC700;
	[dreg:$0x16] =	wrdreg s25  }
0x1d: {  	[dreg:$0x17] =	wrdreg s26;
	s24 =	sadd.s32 s21, s18;
	s25 =	sadd.s32 $0x7000, s7  }
0x1e: {  	v0 =	vimm.f32 $0.0e+00;
	s26 =	sadd.s32 $0x7800, s7;
	s12 =	simm.s32 $0x10700;
	s13 =	simm.s32 $0x2  }
0x1f: {  	v1 =	vimm.s32 $0x0;
	v2 =	vimm.s32 $0x1450;
	v3 =	vlaneseq.u32;
	s14 =	simm.s32 $0x3;
	s15 =	simm.s32 $0x4;
	s16 =	simm.s32 $0x0  }
.LBB2_20:
0x20: {  	s17 =	sadd.s32 $0xFFFFFF80, s21;
	[sflag:s15] =	ssyncadd.s32 @p0 $0xFFFFC000  }
0x21: {  	[tilespmem:s11], [sflag:$0x1] =	stream.indirect.gather [hbm4b:s0+s10], $0x80, s17, s10, $0xb8;
	[tilespmem:$0x1F700] =	vst v63  }
0x22: {  	_ = 	snop  }
0x23: {  	[tilespmem:s12], [sflag:$0x2] =	stream.indirect.gather [hbm4b:s0+s10], $0x80, s21, s10, $0xb8;
	[tilespmem:$0x1F700] =	vst v63  }
0x24: {  	_ =	swait.ge [sflag:s9], $0x4000  }
0x25: {  	[sflag:s9] =	ssyncset.done $0x0  }
0x26: {  	s23 =	sadd.s32 $0xFFFFFF80, s18;
	[sflag:s9] =	ssyncadd.s32 $0xFFFFC000  }
0x27: {  	[spmem:s3] =	stream.indirect.scatter.add.f32 [tilespmem:s11], [sflag:$0x3], $0x80, s23, s10, $0xb8;
	[tilespmem:$0x1F700] =	vst v63  }
0x28: {  	_ =	swait.ge [sflag:s13], $0x4000  }
0x29: {  	[sflag:s13] =	ssyncset.done $0x0  }
0x2a: {  	[sflag:s13] =	ssyncadd.s32 $0xFFFFC000  }
0x2b: {  	[spmem:s3] =	stream.indirect.scatter.add.f32 [tilespmem:s12], [sflag:$0x4], $0x80, s18, s10, $0xb8;
	[tilespmem:$0x1F700] =	vst v63  }
0x2c: {  	_ =	swait.ge [sflag:s14], $0x4000  }
0x2d: {  	[sflag:s14] =	ssyncset.done $0x0  }
0x2e: {  	[sflag:s14] =	ssyncadd.s32 $0xFFFFC000  }
0x2f: {  	_ =	swait.ge [sflag:s15], $0x4000  }
0x30: {  	[sflag:s15] =	ssyncset.done $0x0  }
0x31: {  	[sflag:s15] =	ssyncadd.s32 $0xFFFFC000  }
.LBB2_21:
0x32: {  	[bflag:$0x0] =	sbarrier.arrive $0xFFFF  }
0x33: {  	s17 =	rddreg [dreg:$0x9]  }
0x34: {  	[hbm:s17], [sflag:s19] =	dma.local [spmem:s20], $0x1500  }
0x35: {  	_ =	swait.ge [sflag:s2], $0x1500  }
0x36: {  	s16 =	sadd.s32 $0x1, s16;
	s23 =	rddreg [dreg:$0xa]  }
0x37: {  	p0 =	sne.s32 s16, s23  }
.Ltmp1:
0x38: {  	_ = 	snop;
	(pc) =	sbr.rel @!p0 .LBB2_22-.Ltmp1, $3  }
0x39: {  	_ =	sdelay $0x1  }
0x3a: {  	[sflag:s2] =	ssyncset.done $0x0  }
0x3b: {  	[sflag:s2] =	ssyncadd.s32 $0xFFFFEB00  }
.LBB2_1:
0x3c: {  	s17 =	simm.s32 $0x0;
	s18 =	rddreg [dreg:$0x6]  }
0x3d: {  	[tilespmem:s17], [sflag:$0x5] =	stream.linear.gather [hbm4b:s18+s17], $0x2710, $0x38;
	[tilespmem:$0x1F700] =	vst v63  }
0x3e: {  	_ =	swait.ge [sflag:s2], $0x2710  }
0x3f: {  	[sflag:s2] =	ssyncset.done $0x0  }
0x40: {  	s19 =	simm.s32 $0x2780;
	s23 =	rddreg [dreg:$0x7];
	[sflag:s2] =	ssyncadd.s32 $0xFFFFD8F0  }
0x41: {  	[tilespmem:s19], [sflag:$0x5] =	stream.linear.gather [hbm4b:s23+s17], $0x2710, $0x38;
	[tilespmem:$0x1F700] =	vst v63  }
0x42: {  	_ =	swait.ge [sflag:s2], $0x2710  }
0x43: {  	[sflag:s2] =	ssyncset.done $0x0  }
0x44: {  	s18 =	simm.s32 $0x200;
	s17 =	simm.s32 $0x0;
	[sflag:s2] =	ssyncadd.s32 $0xFFFFD8F0  }
.LBB2_2:
0x45: {  	p0 =	sne.s32 s18, $0x1E00;
	[tilespmem:s17+$0x14770] =	vst v0  }
0x46: {  	[tilespmem:s17+$0x14700] =	vst v0  }
0x47: {  	[tilespmem:s17+$0x14710] =	vst v0  }
.Ltmp2:
0x48: {  	[tilespmem:s17+$0x14720] =	vst v0;
	(pc) =	sbr.rel @p0 .LBB2_2-.Ltmp2, $4  }
0x49: {  	[tilespmem:s17+$0x14730] =	vst v0  }
0x4a: {  	[tilespmem:s17+$0x14740] =	vst v0  }
0x4b: {  	[tilespmem:s17+$0x14750] =	vst v0  }
0x4c: {  	[tilespmem:s17+$0x14760] =	vst v0;
	s17 =	sshra.s32 s18, $0x2;
	s18 =	sadd.s32 $0x200, s18  }
0x4d: {  	[tilespmem:s17+$0x14770] =	vst v0  }
0x4e: {  	[tilespmem:s17+$0x14700] =	vst v0  }
0x4f: {  	[tilespmem:s17+$0x14710] =	vst v0  }
0x50: {  	[tilespmem:s17+$0x14720] =	vst v0  }
0x51: {  	[tilespmem:s17+$0x14730] =	vst v0  }
0x52: {  	[tilespmem:s17+$0x14740] =	vst v0  }
0x53: {  	[tilespmem:s17+$0x14750] =	vst v0  }
0x54: {  	[tilespmem:s17+$0x14760] =	vst v0;
	s17 =	simm.s32 $0x40;
	s18 =	simm.s32 $0x0  }
.LBB2_4:
0x55: {  	p0 =	sne.s32 s17, $0x9FC0;
	[tilespmem:s18+$0x4F00] =	vst v1;
	s18 =	smov.u32 s17;
	s17 =	sadd.s32 $0x40, s17  }
.Ltmp3:
0x56: {  	(pc) =	sbr.rel @p0 .LBB2_4-.Ltmp3, $2  }
0x57: {  	_ =	sdelay $0x2  }
0x58: {  	s18 =	sshra.s32 s18, $0x2  }
0x59: {  	[tilespmem:s18+$0x4F00] =	vst v1;
	s17 =	simm.s32 $0x0;
	s18 =	simm.s32 $0x200  }
.LBB2_6:
0x5a: {  	p0 =	sne.s32 s18, $0x9E00;
	[tilespmem:s17+$0x9F70] =	vst v2  }
0x5b: {  	[tilespmem:s17+$0x7700] =	vst v2  }
0x5c: {  	[tilespmem:s17+$0x9F00] =	vst v2  }
0x5d: {  	[tilespmem:s17+$0x7710] =	vst v2  }
0x5e: {  	[tilespmem:s17+$0x9F10] =	vst v2  }
0x5f: {  	[tilespmem:s17+$0x7720] =	vst v2  }
0x60: {  	[tilespmem:s17+$0x9F20] =	vst v2  }
0x61: {  	[tilespmem:s17+$0x7730] =	vst v2  }
0x62: {  	[tilespmem:s17+$0x9F30] =	vst v2  }
0x63: {  	[tilespmem:s17+$0x7740] =	vst v2  }
0x64: {  	[tilespmem:s17+$0x9F40] =	vst v2  }
.Ltmp4:
0x65: {  	[tilespmem:s17+$0x7750] =	vst v2;
	(pc) =	sbr.rel @p0 .LBB2_6-.Ltmp4, $4  }
0x66: {  	[tilespmem:s17+$0x9F50] =	vst v2  }
0x67: {  	[tilespmem:s17+$0x7760] =	vst v2  }
0x68: {  	[tilespmem:s17+$0x9F60] =	vst v2  }
0x69: {  	[tilespmem:s17+$0x7770] =	vst v2;
	s17 =	sshra.s32 s18, $0x2;
	s18 =	sadd.s32 $0x200, s18  }
0x6a: {  	[tilespmem:s17+$0x9F70] =	vst v2  }
0x6b: {  	[tilespmem:s17+$0x7700] =	vst v2  }
0x6c: {  	[tilespmem:s17+$0x9F00] =	vst v2  }
0x6d: {  	[tilespmem:s17+$0x7710] =	vst v2  }
0x6e: {  	[tilespmem:s17+$0x9F10] =	vst v2  }
0x6f: {  	[tilespmem:s17+$0x7720] =	vst v2  }
0x70: {  	[tilespmem:s17+$0x9F20] =	vst v2  }
0x71: {  	[tilespmem:s17+$0x7730] =	vst v2  }
0x72: {  	[tilespmem:s17+$0x9F30] =	vst v2  }
0x73: {  	[tilespmem:s17+$0x7740] =	vst v2  }
0x74: {  	[tilespmem:s17+$0x9F40] =	vst v2  }
0x75: {  	[tilespmem:s17+$0x7750] =	vst v2  }
0x76: {  	[tilespmem:s17+$0x9F50] =	vst v2  }
0x77: {  	[tilespmem:s17+$0x7760] =	vst v2  }
0x78: {  	[tilespmem:s17+$0x9F60] =	vst v2  }
0x79: {  	[tilespmem:s17+$0x7770] =	vst v2;
	s23 =	simm.s32 $0x0  }
0x7a: {  	v4 =	vld [tilespmem:s23+$0x0];
	_ =	sdelay $0x4  }
0x7b: {  	vm0 =	veq.s32 v4, $0x1  }
0x7c: {  	v4 =	vsel vm0, $0x1, v1  }
0x7d: {  	(xrf0) =	vadd.scan.msk.s32 $0xffff, v4;
	_ =	sdelay $0x1  }
0x7e: {  	s18 =	simm.s32 $0x0  }
0x7f: {  	v4 =	vmov s18  }
0x80: {  	v4 =	vadd.s32 $0xFFFFFFFF, v4  }
0x81: {  	v4 =	vbroadcast v4, $0x0  }
0x82: {  	v5, _, _ =	vpop (xrf0)  }
0x83: {  	v6 =	vadd.s32 v5, v4;
	(v2sf) =	vpush v5, $0xF  }
0x84: {  	v4 =	vshra.s32 v6, $0x1F;
	v5 =	vand.u32 $0x7F, v6  }
0x85: {  	vm1 =	vlt.s32 v6, $0x1;
	v4 =	vshrl.u32 v4, $0x19;
	vm2 =	vne.s32 v5, $0x0  }
0x86: {  	v4 =	vadd.s32 v4, v6;
	vm1 =	vmand vm1, vm2  }
0x87: {  	v4 =	vshrl.u32 v4, $0x7;
	v7 =	vsel vm1, $0xFFFFFFFF, v1  }
0x88: {  	v4 =	vadd.s32 v7, v4  }
0x89: {  	v4 =	vshll.u32 v4, $0x7  }
0x8a: {  	v7 =	vsub.s32 v6, v4  }
0x8b: {  	v8 =	vld [tilespmem:s23+$0x2780];
	v7 =	vand.u32 $0xFFFFFF80, v7  }
0x8c: {  	v4 =	vadd.s32 v4, v7  }
0x8d: {  	v4 =	vor.u32 v5, v4;
	_ =	sdelay $0x2  }
0x8e: {  	vm1 =	vlt.s32 v8, $0x1400;
	v5 =	vor.u32 s24, v3  }
0x8f: {  	s20 =	simm.s32 $0x40;
	s21 =	simm.s32 $0x80;
	vm2 =	vmand vm0, vm1;
	v7 =	vadd.s32 $0xFFFFEC00, v8;
	[tilespmem:v6+s4+$0x0] =	vst.idx.msk vm0, v5;
	v6 =	vnsel vm1, $0x1450, v8  }
0x90: {  	s19 =	smov.u32 s24;
	s17 =	simm.s32 $0x0;
	v5 =	vsel vm1, $0x1450, v7;
	[tilespmem:v4+s5+$0x0] =	vst.idx.msk vm0, v6;
	v6 =	vsel vm2, $0x1, v1;
	s22 =	spop (v2sf)  }
.LBB2_8:
0x91: {  	p0 =	sne.s32 s21, $0x9C00;
	s23 =	sshra.s32 s20, $0x2;
	[tilespmem:v4+s6+$0x0] =	vst.idx.msk vm0, v5;
	s18 =	sadd.s32 s18, s22;
	(xrf0) =	vadd.scan.msk.s32 $0xffff, v6  }
0x92: {  	s20 =	smov.u32 s21;
	v4 =	vld [tilespmem:s23+$0x0];
	v5 =	vmov s18  }
0x93: {  	v6 =	vld [tilespmem:s23+$0x2780];
	v5 =	vadd.s32 $0xFFFFFFFF, v5  }
0x94: {  	v5 =	vbroadcast v5, $0x0;
	_ =	sdelay $0x2  }
0x95: {  	vm0 =	veq.s32 v4, $0x1;
	v4, _, _ =	vpop (xrf0)  }
0x96: {  	v7 =	vsel vm0, $0x1, v1;
	v8 =	vadd.s32 $0xFFFFEC00, v6;
	(v2sf) =	vpush v4, $0xF  }
0x97: {  	(xrf0) =	vadd.scan.msk.s32 $0xffff, v7;
	_ =	sdelay $0x5  }
0x98: {  	v4, _, _ =	vpop (xrf0)  }
0x99: {  	v5 =	vadd.s32 v4, v5;
	(v2sf) =	vpush v4, $0xF  }
0x9a: {  	v4 =	vshra.s32 v5, $0x1F;
	vm1 =	vlt.s32 v5, $0x1;
	v7 =	vand.u32 $0x7F, v5  }
0x9b: {  	v4 =	vshrl.u32 v4, $0x19;
	vm2 =	vne.s32 v7, $0x0  }
0x9c: {  	s19 =	sadd.s32 $0x10, s19;
	v4 =	vadd.s32 v4, v5;
	vm1 =	vmand vm1, vm2  }
0x9d: {  	v10 =	vor.u32 s19, v3;
	v4 =	vshrl.u32 v4, $0x7;
	v9 =	vsel vm1, $0xFFFFFFFF, v1  }
0x9e: {  	v4 =	vadd.s32 v9, v4;
	[tilespmem:v5+s4+$0x0] =	vst.idx.msk vm0, v10  }
0x9f: {  	v4 =	vshll.u32 v4, $0x7  }
0xa0: {  	v5 =	vsub.s32 v5, v4;
	s22 =	spop (v2sf)  }
0xa1: {  	v5 =	vand.u32 $0xFFFFFF80, v5;
	s17 =	sadd.s32 s17, s22  }
0xa2: {  	v4 =	vadd.s32 v4, v5  }
0xa3: {  	v4 =	vor.u32 v7, v4  }
.Ltmp5:
0xa4: {  	(pc) =	sbr.rel @p0 .LBB2_8-.Ltmp5, $4  }
0xa5: {  	_ = 	snop  }
0xa6: {  	vm1 =	vlt.s32 v6, $0x1400  }
0xa7: {  	v6 =	vnsel vm1, $0x1450, v6;
	v5 =	vsel vm1, $0x1450, v8;
	vm1 =	vmand vm0, vm1  }
0xa8: {  	s21 =	sadd.s32 $0x40, s21;
	[tilespmem:v4+s5+$0x0] =	vst.idx.msk vm0, v6;
	v6 =	vsel vm1, $0x1, v1;
	s22 =	spop (v2sf)  }
0xa9: {  	_ =	sdelay $0x4  }
0xaa: {  	s20 =	sshra.s32 s20, $0x2;
	[tilespmem:v4+s6+$0x0] =	vst.idx.msk vm0, v5  }
0xab: {  	v4 =	vld [tilespmem:s20+$0x0]  }
0xac: {  	v5 =	vld [tilespmem:s20+$0x2780];
	_ =	sdelay $0x4  }
0xad: {  	vm14 =	veq.s32 v4, $0x1;
	vm1 =	vlt.s32 v5, $0x1400  }
0xae: {  	(xrf0) =	vadd.scan.msk.s32 $0xffff, v6;
	v4 =	vsel vm14, $0x1, v1;
	vm2 =	vmand vm14, vm1  }
0xaf: {  	(xrf0) =	vadd.scan.msk.s32 $0xffff, v4;
	v4 =	vsel vm2, $0x1, v1  }
0xb0: {  	(xrf0) =	vadd.scan.msk.s32 $0xffff, v4  }
0xb1: {  	s18 =	sadd.s32 s18, s22  }
0xb2: {  	v4 =	vmov s18  }
0xb3: {  	v4 =	vadd.s32 $0xFFFFFFFF, v4  }
0xb4: {  	v6, _, _ =	vpop (xrf0);
	v4 =	vbroadcast v4, $0x0  }
0xb5: {  	(v2sf) =	vpush v6, $0xF;
	v7, _, _ =	vpop (xrf0)  }
0xb6: {  	v4 =	vadd.s32 v7, v4;
	(v2sf) =	vpush v7, $0xF;
	v57, _, _ =	vpop (xrf0)  }
0xb7: {  	v58 =	vshra.s32 v4, $0x1F;
	v8 =	vand.u32 $0x7F, v4;
	(v2sf) =	vpush v57, $0xF  }
0xb8: {  	vm15 =	vlt.s32 v4, $0x1;
	v59 =	vshrl.u32 v58, $0x19;
	vm3 =	vne.s32 v8, $0x0  }
0xb9: {  	vm2 =	vmand vm15, vm3;
	v6 =	vadd.s32 v59, v4  }
0xba: {  	v6 =	vshrl.u32 v6, $0x7;
	v60 =	vsel vm2, $0xFFFFFFFF, v1  }
0xbb: {  	v6 =	vadd.s32 v60, v6  }
0xbc: {  	v6 =	vshll.u32 v6, $0x7  }
0xbd: {  	v61 =	vsub.s32 v4, v6  }
0xbe: {  	v7 =	vand.u32 $0xFFFFFF80, v61  }
0xbf: {  	v6 =	vadd.s32 v6, v7  }
0xc0: {  	v6 =	vor.u32 v8, v6;
	_ =	sdelay $0x1  }
0xc1: {  	s19 =	sadd.s32 $0x10, s19  }
0xc2: {  	v62 =	vor.u32 s19, v3  }
0xc3: {  	v63 =	vadd.s32 $0xFFFFEC00, v5;
	[tilespmem:v4+s4+$0x0] =	vst.idx.msk vm14, v62;
	s19 =	spop (v2sf);
	v4 =	vnsel vm1, $0x1450, v5  }
0xc4: {  	v5 =	vsel vm1, $0x1450, v63;
	[tilespmem:v6+s5+$0x0] =	vst.idx.msk vm14, v4;
	s21 =	spop (v2sf)  }
0xc5: {  	[tilespmem:v6+s6+$0x0] =	vst.idx.msk vm14, v5;
	s20 =	spop (v2sf)  }
0xc6: {  	[spmem:s7] =	stream.linear.scatter [tilespmem:s8], [sflag:$0x5], $0x800, $0x38;
	[tilespmem:$0x1F700] =	vst v63  }
0xc7: {  	_ =	swait.ge [sflag:s2], $0x800  }
0xc8: {  	[sflag:s2] =	ssyncset.done $0x0  }
0xc9: {  	s23 =	rddreg [dreg:$0xb];
	[sflag:s2] =	ssyncadd.s32 $0xFFFFF800  }
0xca: {  	[spmem:s23] =	stream.linear.scatter [tilespmem:s8], [sflag:$0x5], $0x800, $0x38;
	[tilespmem:$0x1F700] =	vst v63  }
0xcb: {  	_ =	swait.ge [sflag:s2], $0x800  }
0xcc: {  	[sflag:s2] =	ssyncset.done $0x0  }
0xcd: {  	s23 =	rddreg [dreg:$0xc];
	[sflag:s2] =	ssyncadd.s32 $0xFFFFF800  }
0xce: {  	[spmem:s23] =	stream.linear.scatter [tilespmem:s8], [sflag:$0x5], $0x800, $0x38;
	[tilespmem:$0x1F700] =	vst v63  }
0xcf: {  	_ =	swait.ge [sflag:s2], $0x800  }
0xd0: {  	[sflag:s2] =	ssyncset.done $0x0  }
0xd1: {  	s23 =	rddreg [dreg:$0xd];
	[sflag:s2] =	ssyncadd.s32 $0xFFFFF800  }
0xd2: {  	[spmem:s23] =	stream.linear.scatter [tilespmem:s8], [sflag:$0x5], $0x800, $0x38;
	[tilespmem:$0x1F700] =	vst v63  }
0xd3: {  	_ =	swait.ge [sflag:s2], $0x800  }
0xd4: {  	[sflag:s2] =	ssyncset.done $0x0  }
0xd5: {  	s23 =	rddreg [dreg:$0xe];
	[sflag:s2] =	ssyncadd.s32 $0xFFFFF800  }
0xd6: {  	[spmem:s23] =	stream.linear.scatter [tilespmem:s8], [sflag:$0x5], $0x800, $0x38;
	[tilespmem:$0x1F700] =	vst v63  }
0xd7: {  	_ =	swait.ge [sflag:s2], $0x800  }
0xd8: {  	[sflag:s2] =	ssyncset.done $0x0  }
0xd9: {  	s23 =	rddreg [dreg:$0xf];
	[sflag:s2] =	ssyncadd.s32 $0xFFFFF800  }
0xda: {  	[spmem:s23] =	stream.linear.scatter [tilespmem:s8], [sflag:$0x5], $0x800, $0x38;
	[tilespmem:$0x1F700] =	vst v63  }
0xdb: {  	_ =	swait.ge [sflag:s2], $0x800  }
0xdc: {  	[sflag:s2] =	ssyncset.done $0x0  }
0xdd: {  	s23 =	rddreg [dreg:$0x10];
	[sflag:s2] =	ssyncadd.s32 $0xFFFFF800  }
0xde: {  	[spmem:s23] =	stream.linear.scatter [tilespmem:s8], [sflag:$0x5], $0x800, $0x38;
	[tilespmem:$0x1F700] =	vst v63  }
0xdf: {  	_ =	swait.ge [sflag:s2], $0x800  }
0xe0: {  	[sflag:s2] =	ssyncset.done $0x0  }
0xe1: {  	s23 =	rddreg [dreg:$0x11];
	[sflag:s2] =	ssyncadd.s32 $0xFFFFF800  }
0xe2: {  	[spmem:s23] =	stream.linear.scatter [tilespmem:s8], [sflag:$0x5], $0x800, $0x38;
	[tilespmem:$0x1F700] =	vst v63  }
0xe3: {  	_ =	swait.ge [sflag:s2], $0x800  }
0xe4: {  	[sflag:s2] =	ssyncset.done $0x0  }
0xe5: {  	s23 =	rddreg [dreg:$0x12];
	[sflag:s2] =	ssyncadd.s32 $0xFFFFF800  }
0xe6: {  	[spmem:s23] =	stream.linear.scatter [tilespmem:s8], [sflag:$0x5], $0x800, $0x38;
	[tilespmem:$0x1F700] =	vst v63  }
0xe7: {  	_ =	swait.ge [sflag:s2], $0x800  }
0xe8: {  	[sflag:s2] =	ssyncset.done $0x0  }
0xe9: {  	s23 =	rddreg [dreg:$0x13];
	[sflag:s2] =	ssyncadd.s32 $0xFFFFF800  }
0xea: {  	[spmem:s23] =	stream.linear.scatter [tilespmem:s8], [sflag:$0x5], $0x800, $0x38;
	[tilespmem:$0x1F700] =	vst v63  }
0xeb: {  	_ =	swait.ge [sflag:s2], $0x800  }
0xec: {  	[sflag:s2] =	ssyncset.done $0x0  }
0xed: {  	s23 =	rddreg [dreg:$0x14];
	[sflag:s2] =	ssyncadd.s32 $0xFFFFF800  }
0xee: {  	[spmem:s23] =	stream.linear.scatter [tilespmem:s8], [sflag:$0x5], $0x800, $0x38;
	[tilespmem:$0x1F700] =	vst v63  }
0xef: {  	_ =	swait.ge [sflag:s2], $0x800  }
0xf0: {  	s17 =	sadd.s32 s17, s19;
	s18 =	sadd.s32 s18, s21;
	[sflag:s2] =	ssyncset.done $0x0  }
0xf1: {  	s18 =	sadd.s32 $0x7F, s18;
	s23 =	rddreg [dreg:$0x15];
	[sflag:s2] =	ssyncadd.s32 $0xFFFFF800  }
0xf2: {  	[spmem:s23] =	stream.linear.scatter [tilespmem:s8], [sflag:$0x5], $0x800, $0x38;
	[tilespmem:$0x1F700] =	vst v63  }
0xf3: {  	s17 =	sadd.s32 s17, s20;
	s20 =	simm.s32 $0x1;
	_ =	swait.ge [sflag:s2], $0x800  }
0xf4: {  	s21 =	sand.u32 $0x7F, s18;
	s22 =	sshra.s32 s18, $0x1F;
	[sflag:s2] =	ssyncset.done $0x0  }
0xf5: {  	p0 =	slt.s32 s18, $0x1;
	s23 =	rddreg [dreg:$0x16];
	[sflag:s2] =	ssyncadd.s32 $0xFFFFF800  }
0xf6: {  	[spmem:s23] =	stream.linear.scatter [tilespmem:s8], [sflag:$0x5], $0x800, $0x38;
	[tilespmem:$0x1F700] =	vst v63  }
0xf7: {  	p4 =	slt.s32 s17, $0x1;
	p1 =	sne.s32 s21, $0x0;
	_ =	swait.ge [sflag:s2], $0x800  }
0xf8: {  	s21 =	sadd.s32 $0x7F, s17;
	p0 =	por !p0, !p1;
	[sflag:s2] =	ssyncset.done $0x0  }
0xf9: {  	p0 =	por !p0, !p0;
	s23 =	rddreg [dreg:$0x17];
	[sflag:s2] =	ssyncadd.s32 $0xFFFFF800  }
0xfa: {  	[spmem:s23] =	stream.linear.scatter [tilespmem:s8], [sflag:$0x5], $0x800, $0x38;
	[tilespmem:$0x1F700] =	vst v63  }
0xfb: {  	p3 =	slt.s32 s21, $0x1;
	s20 =	simm.s32 @!p0 $0x0;
	s23 =	sshrl.u32 s22, $0x19  }
0xfc: {  	s22 =	sand.u32 $0x7F, s21;
	_ =	swait.ge [sflag:s2], $0x800;
	s18 =	sadd.s32 s23, s18  }
0xfd: {  	p2 =	sne.s32 s22, $0x0;
	s23 =	sshra.s32 s21, $0x1F;
	s22 =	sshra.s32 s17, $0x1F  }
0xfe: {  	[sflag:s2] =	ssyncset.done $0x0;
	s18 =	sshra.s32 s18, $0x7;
	s19 =	sshrl.u32 s23, $0x19  }
0xff: {  	p0 =	por !p3, !p2;
	s23 =	sand.u32 $0x7F, s17;
	[sflag:s2] =	ssyncadd.s32 $0xFFFFF800  }
0x100: {  	s19 =	sadd.s32 s19, s21;
	p0 =	por !p0, !p0;
	s21 =	simm.s32 $0x1  }
0x101: {  	s18 =	ssub.s32 s18, s20;
	s20 =	sshrl.u32 s22, $0x19;
	p5 =	sne.s32 s23, $0x0  }
0x102: {  	[spmem:s25] =	stream.linear.scatter [tilespmem:s8], [sflag:$0x5], $0x800, $0x38;
	[tilespmem:$0x1F700] =	vst v63  }
0x103: {  	s19 =	sshra.s32 s19, $0x7;
	s21 =	simm.s32 @!p0 $0x0;
	s17 =	sadd.s32 s20, s17  }
0x104: {  	p0 =	por !p4, !p5;
	p5 =	slt.s32 s18, $0x0;
	_ =	swait.ge [sflag:s2], $0x800  }
0x105: {  	s19 =	ssub.s32 s19, s21;
	p0 =	por !p0, !p0;
	s17 =	sshra.s32 s17, $0x7  }
0x106: {  	[sflag:s2] =	ssyncset.done $0x0;
	s22 =	sadd.s32 $0x1, s19;
	p6 =	slt.s32 s19, $0x0  }
0x107: {  	s19 =	simm.s32 $0x1;
	[sflag:s2] =	ssyncadd.s32 $0xFFFFF800;
	s23 =	sshrl.u32 s22, $0x1F  }
0x108: {  	[spmem:s26] =	stream.linear.scatter [tilespmem:s8], [sflag:$0x5], $0x800, $0x38;
	[tilespmem:$0x1F700] =	vst v63  }
0x109: {  	s20 =	sand.u32 $0x1, s22;
	s19 =	simm.s32 @!p0 $0x0;
	_ =	swait.ge [sflag:s2], $0x800  }
0x10a: {  	s21 =	sadd.s32 s23, s22;
	p2 =	seq.s32 s20, $0x1;
	[sflag:s2] =	ssyncset.done $0x0  }
0x10b: {  	s17 =	ssub.s32 s17, s19;
	s20 =	simm.s32 $0x1;
	[sflag:s2] =	ssyncadd.s32 $0xFFFFF800  }
0x10c: {  	[spmem:s28] =	stream.linear.scatter [tilespmem:s8], [sflag:$0x5], $0x800, $0x38;
	[tilespmem:$0x1F700] =	vst v63  }
0x10d: {  	s19 =	sadd.s32 $0x1, s18;
	s22 =	sshra.s32 s21, $0x1;
	_ =	swait.ge [sflag:s2], $0x800  }
0x10e: {  	p0 =	por !p6, !p2;
	s23 =	sand.u32 $0x1, s17;
	[sflag:s2] =	ssyncset.done $0x0  }
0x10f: {  	p3 =	slt.s32 s17, $0x1;
	p0 =	por !p0, !p0;
	[sflag:s2] =	ssyncadd.s32 $0xFFFFF800  }
0x110: {  	[spmem:s29] =	stream.linear.scatter [tilespmem:s8], [sflag:$0x5], $0x800, $0x38;
	[tilespmem:$0x1F700] =	vst v63  }
0x111: {  	p4 =	seq.s32 s23, $0x1;
	s23 =	sand.u32 $0x1, s19;
	_ =	swait.ge [sflag:s2], $0x800  }
0x112: {  	s20 =	simm.s32 @!p0 $0x0;
	p0 =	por !p3, !p4;
	[sflag:s2] =	ssyncset.done $0x0  }
0x113: {  	p6 =	seq.s32 s23, $0x1;
	s21 =	ssub.s32 s22, s20;
	[sflag:s2] =	ssyncadd.s32 $0xFFFFF800  }
0x114: {  	[spmem:s30] =	stream.linear.scatter [tilespmem:s8], [sflag:$0x5], $0x800, $0x38;
	[tilespmem:$0x1F700] =	vst v63  }
0x115: {  	s22 =	sshrl.u32 s17, $0x1F;
	p0 =	por !p0, !p0;
	_ =	swait.ge [sflag:s2], $0x800  }
0x116: {  	s20 =	simm.s32 $0x1;
	s17 =	sadd.s32 s22, s17;
	[sflag:s2] =	ssyncset.done $0x0  }
0x117: {  	s20 =	simm.s32 @!p0 $0x0;
	s22 =	sshrl.u32 s19, $0x1F;
	[sflag:s2] =	ssyncadd.s32 $0xFFFFF800  }
0x118: {  	[spmem:s31] =	stream.linear.scatter [tilespmem:s8], [sflag:$0x5], $0x800, $0x38;
	[tilespmem:$0x1F700] =	vst v63  }
0x119: {  	p0 =	por !p5, !p6;
	s18 =	sadd.s32 s22, s19;
	_ =	swait.ge [sflag:s2], $0x800  }
0x11a: {  	p0 =	por !p0, !p0;
	s19 =	simm.s32 $0x1;
	[sflag:s2] =	ssyncset.done $0x0  }
0x11b: {  	s19 =	simm.s32 @!p0 $0x0;
	p0 =	slt.s32 s21, $0x1;
	[sflag:s2] =	ssyncadd.s32 $0xFFFFF800  }
0x11c: {  	[spmem:s1] =	stream.linear.scatter [tilespmem:s8], [sflag:$0x5], $0x800, $0x38;
	[tilespmem:$0x1F700] =	vst v63  }
.Ltmp6:
0x11d: {  	_ =	swait.ge [sflag:s2], $0x800;
	(pc) =	sbr.rel @p0 .LBB2_16-.Ltmp6, $4  }
0x11e: {  	[sflag:s2] =	ssyncset.done $0x0  }
0x11f: {  	[sflag:s2] =	ssyncadd.s32 $0xFFFFF800  }
0x120: {  	s17 =	sshra.s32 s17, $0x1;
	s23 =	sshra.s32 s18, $0x1;
	[bflag:$0x0] =	sbarrier.arrive $0xFFFF  }
0x121: {  	s18 =	ssub.s32 s17, s20;
	s17 =	ssub.s32 s23, s19  }
0x122: {  	p1 =	sne.s32 s21, $0x1  }
.Ltmp7:
0x123: {  	_ = 	snop;
	(pc) =	sbr.rel @!p1 .LBB2_11-.Ltmp7, $3  }
0x124: {  	_ =	sdelay $0x1  }
0x125: {  	s20 =	simm.s32 $0x4F80  }
0x126: {  	s19 =	simm.s32 $0x7780;
	s21 =	sadd.s32 $0xFFFFFFFF, s21;
	p0 =	por $0x0, $0x0  }
0x127: {  	s22 =	simm.s32 $0x4F00  }
0x128: {  	[tilespmem:s11], [sflag:$0x1] =	stream.indirect.gather [hbm4b:s0+s10], $0x80, s22, s10, $0xb8;
	[tilespmem:$0x1F700] =	vst v63  }
0x129: {  	_ = 	snop  }
0x12a: {  	[tilespmem:s12], [sflag:$0x2] =	stream.indirect.gather [hbm4b:s0+s10], $0x80, s20, s10, $0xb8;
	[tilespmem:$0x1F700] =	vst v63  }
0x12b: {  	_ =	swait.ge [sflag:s9], $0x4000  }
0x12c: {  	[sflag:s9] =	ssyncset.done $0x0  }
0x12d: {  	s23 =	simm.s32 $0x7700;
	[sflag:s9] =	ssyncadd.s32 $0xFFFFC000  }
0x12e: {  	[spmem:s3] =	stream.indirect.scatter.add.f32 [tilespmem:s11], [sflag:$0x3], $0x80, s23, s10, $0xb8;
	[tilespmem:$0x1F700] =	vst v63  }
0x12f: {  	_ =	swait.ge [sflag:s13], $0x4000  }
0x130: {  	[sflag:s13] =	ssyncset.done $0x0  }
0x131: {  	p1 =	sne.s32 s21, $0x1;
	[sflag:s13] =	ssyncadd.s32 $0xFFFFC000  }
0x132: {  	[spmem:s3] =	stream.indirect.scatter.add.f32 [tilespmem:s12], [sflag:$0x4], $0x80, s19, s10, $0xb8;
	[tilespmem:$0x1F700] =	vst v63  }
.Ltmp8:
0x133: {  	_ =	swait.ge [sflag:s14], $0x4000;
	(pc) =	sbr.rel @!p1 .LBB2_13-.Ltmp8, $4  }
0x134: {  	[sflag:s14] =	ssyncset.done $0x0  }
0x135: {  	[sflag:s14] =	ssyncadd.s32 $0xFFFFC000  }
0x136: {  	p0 =	por $0x1, $0x1;
	s22 =	sadd.s32 $0xFFFFFFFF, s21;
	_ =	swait.ge [sflag:s15], $0x4000  }
0x137: {  	s21 =	simm.s32 $0x7780;
	s20 =	simm.s32 $0x5080;
	[sflag:s15] =	ssyncset.done $0x0  }
.LBB2_14:
0x138: {  	s23 =	sadd.s32 $0xFFFFFF80, s20;
	[sflag:s15] =	ssyncadd.s32 $0xFFFFC000;
	s21 =	sadd.s32 $0x100, s21  }
0x139: {  	[tilespmem:s11], [sflag:$0x1] =	stream.indirect.gather [hbm4b:s0+s10], $0x80, s23, s10, $0xb8;
	[tilespmem:$0x1F700] =	vst v63  }
0x13a: {  	p1 =	sne.s32 s22, $0x1;
	s22 =	sadd.s32 $0xFFFFFFFF, s22  }
0x13b: {  	[tilespmem:s12], [sflag:$0x2] =	stream.indirect.gather [hbm4b:s0+s10], $0x80, s20, s10, $0xb8;
	[tilespmem:$0x1F700] =	vst v63  }
0x13c: {  	_ =	swait.ge [sflag:s9], $0x4000  }
0x13d: {  	[sflag:s9] =	ssyncset.done $0x0  }
0x13e: {  	s23 =	sadd.s32 $0xFFFFFF80, s21;
	[sflag:s9] =	ssyncadd.s32 $0xFFFFC000  }
0x13f: {  	[spmem:s3] =	stream.indirect.scatter.add.f32 [tilespmem:s11], [sflag:$0x3], $0x80, s23, s10, $0xb8;
	[tilespmem:$0x1F700] =	vst v63  }
0x140: {  	_ =	swait.ge [sflag:s13], $0x4000  }
0x141: {  	[sflag:s13] =	ssyncset.done $0x0  }
0x142: {  	[sflag:s13] =	ssyncadd.s32 $0xFFFFC000  }
0x143: {  	[spmem:s3] =	stream.indirect.scatter.add.f32 [tilespmem:s12], [sflag:$0x4], $0x80, s21, s10, $0xb8;
	[tilespmem:$0x1F700] =	vst v63  }
.Ltmp9:
0x144: {  	_ =	swait.ge [sflag:s14], $0x4000;
	(pc) =	sbr.rel @p1 .LBB2_14-.Ltmp9, $4  }
0x145: {  	[sflag:s14] =	ssyncset.done $0x0  }
0x146: {  	[sflag:s14] =	ssyncadd.s32 $0xFFFFC000  }
0x147: {  	_ =	swait.ge [sflag:s15], $0x4000  }
0x148: {  	s20 =	sadd.s32 $0x100, s20;
	[sflag:s15] =	ssyncset.done $0x0  }
.LBB2_15:
0x149: {  	s22 =	sadd.s32 $0xFFFFFF80, s20;
	[sflag:s15] =	ssyncadd.s32 @p0 $0xFFFFC000  }
0x14a: {  	[tilespmem:s11], [sflag:$0x1] =	stream.indirect.gather [hbm4b:s0+s10], $0x80, s22, s10, $0xb8;
	[tilespmem:$0x1F700] =	vst v63  }
0x14b: {  	_ = 	snop  }
0x14c: {  	[tilespmem:s12], [sflag:$0x2] =	stream.indirect.gather [hbm4b:s0+s10], $0x80, s20, s10, $0xb8;
	[tilespmem:$0x1F700] =	vst v63  }
0x14d: {  	s20 =	sadd.s32 @p0 $0x100, s21;
	_ =	swait.ge [sflag:s9], $0x4000  }
0x14e: {  	s19 =	smov.u32 @p0 s20;
	[sflag:s9] =	ssyncset.done $0x0  }
0x14f: {  	s20 =	sadd.s32 $0xFFFFFF80, s19;
	[sflag:s9] =	ssyncadd.s32 $0xFFFFC000  }
0x150: {  	[spmem:s3] =	stream.indirect.scatter.add.f32 [tilespmem:s11], [sflag:$0x3], $0x80, s20, s10, $0xb8;
	[tilespmem:$0x1F700] =	vst v63  }
0x151: {  	_ =	swait.ge [sflag:s13], $0x4000  }
0x152: {  	[sflag:s13] =	ssyncset.done $0x0  }
0x153: {  	[sflag:s13] =	ssyncadd.s32 $0xFFFFC000  }
0x154: {  	[spmem:s3] =	stream.indirect.scatter.add.f32 [tilespmem:s12], [sflag:$0x4], $0x80, s19, s10, $0xb8;
	[tilespmem:$0x1F700] =	vst v63  }
0x155: {  	_ =	swait.ge [sflag:s14], $0x4000  }
0x156: {  	[sflag:s14] =	ssyncset.done $0x0  }
0x157: {  	[sflag:s14] =	ssyncadd.s32 $0xFFFFC000  }
0x158: {  	_ =	swait.ge [sflag:s15], $0x4000  }
0x159: {  	[sflag:s15] =	ssyncset.done $0x0  }
0x15a: {  	[sflag:s15] =	ssyncadd.s32 $0xFFFFC000  }
.LBB2_16:
0x15b: {  	s19 =	stileid.u32  }
0x15c: {  	[bflag:$0x0] =	sbarrier.arrive $0xFFFF;
	s19 =	sshll.u32 s19, $0x6  }
0x15d: {  	s20 =	sshrl.u32 s7, $0x3;
	s21 =	rddreg [dreg:$0x8];
	s19 =	sor.u32 $0x1C05, s19  }
0x15e: {  	[hbm:s21], [sflag:s19] =	dma.local [spmem:s20], $0x1500  }
0x15f: {  	_ =	swait.ge [sflag:s2], $0x1500  }
0x160: {  	[sflag:s2] =	ssyncset.done $0x0  }
0x161: {  	[sflag:s2] =	ssyncadd.s32 $0xFFFFEB00  }
0x162: {  	[spmem:s7] =	stream.linear.scatter [tilespmem:s8], [sflag:$0x5], $0x800, $0x38;
	[tilespmem:$0x1F700] =	vst v63  }
0x163: {  	_ =	swait.ge [sflag:s2], $0x800  }
0x164: {  	[sflag:s2] =	ssyncset.done $0x0  }
0x165: {  	s23 =	rddreg [dreg:$0xb];
	[sflag:s2] =	ssyncadd.s32 $0xFFFFF800  }
0x166: {  	[spmem:s23] =	stream.linear.scatter [tilespmem:s8], [sflag:$0x5], $0x800, $0x38;
	[tilespmem:$0x1F700] =	vst v63  }
0x167: {  	_ =	swait.ge [sflag:s2], $0x800  }
0x168: {  	[sflag:s2] =	ssyncset.done $0x0  }
0x169: {  	s22 =	rddreg [dreg:$0xc];
	[sflag:s2] =	ssyncadd.s32 $0xFFFFF800  }
0x16a: {  	[spmem:s22] =	stream.linear.scatter [tilespmem:s8], [sflag:$0x5], $0x800, $0x38;
	[tilespmem:$0x1F700] =	vst v63  }
0x16b: {  	_ =	swait.ge [sflag:s2], $0x800  }
0x16c: {  	[sflag:s2] =	ssyncset.done $0x0  }
0x16d: {  	s23 =	rddreg [dreg:$0xd];
	[sflag:s2] =	ssyncadd.s32 $0xFFFFF800  }
0x16e: {  	[spmem:s23] =	stream.linear.scatter [tilespmem:s8], [sflag:$0x5], $0x800, $0x38;
	[tilespmem:$0x1F700] =	vst v63  }
0x16f: {  	_ =	swait.ge [sflag:s2], $0x800  }
0x170: {  	[sflag:s2] =	ssyncset.done $0x0  }
0x171: {  	s22 =	rddreg [dreg:$0xe];
	[sflag:s2] =	ssyncadd.s32 $0xFFFFF800  }
0x172: {  	[spmem:s22] =	stream.linear.scatter [tilespmem:s8], [sflag:$0x5], $0x800, $0x38;
	[tilespmem:$0x1F700] =	vst v63  }
0x173: {  	_ =	swait.ge [sflag:s2], $0x800  }
0x174: {  	[sflag:s2] =	ssyncset.done $0x0  }
0x175: {  	s23 =	rddreg [dreg:$0xf];
	[sflag:s2] =	ssyncadd.s32 $0xFFFFF800  }
0x176: {  	[spmem:s23] =	stream.linear.scatter [tilespmem:s8], [sflag:$0x5], $0x800, $0x38;
	[tilespmem:$0x1F700] =	vst v63  }
0x177: {  	_ =	swait.ge [sflag:s2], $0x800  }
0x178: {  	[sflag:s2] =	ssyncset.done $0x0  }
0x179: {  	s22 =	rddreg [dreg:$0x10];
	[sflag:s2] =	ssyncadd.s32 $0xFFFFF800  }
0x17a: {  	[spmem:s22] =	stream.linear.scatter [tilespmem:s8], [sflag:$0x5], $0x800, $0x38;
	[tilespmem:$0x1F700] =	vst v63  }
0x17b: {  	_ =	swait.ge [sflag:s2], $0x800  }
0x17c: {  	[sflag:s2] =	ssyncset.done $0x0  }
0x17d: {  	s23 =	rddreg [dreg:$0x11];
	[sflag:s2] =	ssyncadd.s32 $0xFFFFF800  }
0x17e: {  	[spmem:s23] =	stream.linear.scatter [tilespmem:s8], [sflag:$0x5], $0x800, $0x38;
	[tilespmem:$0x1F700] =	vst v63  }
0x17f: {  	_ =	swait.ge [sflag:s2], $0x800  }
0x180: {  	[sflag:s2] =	ssyncset.done $0x0  }
0x181: {  	s22 =	rddreg [dreg:$0x12];
	[sflag:s2] =	ssyncadd.s32 $0xFFFFF800  }
0x182: {  	[spmem:s22] =	stream.linear.scatter [tilespmem:s8], [sflag:$0x5], $0x800, $0x38;
	[tilespmem:$0x1F700] =	vst v63  }
0x183: {  	_ =	swait.ge [sflag:s2], $0x800  }
0x184: {  	[sflag:s2] =	ssyncset.done $0x0  }
0x185: {  	s23 =	rddreg [dreg:$0x13];
	[sflag:s2] =	ssyncadd.s32 $0xFFFFF800  }
0x186: {  	[spmem:s23] =	stream.linear.scatter [tilespmem:s8], [sflag:$0x5], $0x800, $0x38;
	[tilespmem:$0x1F700] =	vst v63  }
0x187: {  	_ =	swait.ge [sflag:s2], $0x800  }
0x188: {  	[sflag:s2] =	ssyncset.done $0x0  }
0x189: {  	s22 =	rddreg [dreg:$0x14];
	[sflag:s2] =	ssyncadd.s32 $0xFFFFF800  }
0x18a: {  	[spmem:s22] =	stream.linear.scatter [tilespmem:s8], [sflag:$0x5], $0x800, $0x38;
	[tilespmem:$0x1F700] =	vst v63  }
0x18b: {  	_ =	swait.ge [sflag:s2], $0x800  }
0x18c: {  	[sflag:s2] =	ssyncset.done $0x0  }
0x18d: {  	s23 =	rddreg [dreg:$0x15];
	[sflag:s2] =	ssyncadd.s32 $0xFFFFF800  }
0x18e: {  	[spmem:s23] =	stream.linear.scatter [tilespmem:s8], [sflag:$0x5], $0x800, $0x38;
	[tilespmem:$0x1F700] =	vst v63  }
0x18f: {  	_ =	swait.ge [sflag:s2], $0x800  }
0x190: {  	[sflag:s2] =	ssyncset.done $0x0  }
0x191: {  	s22 =	rddreg [dreg:$0x16];
	[sflag:s2] =	ssyncadd.s32 $0xFFFFF800  }
0x192: {  	[spmem:s22] =	stream.linear.scatter [tilespmem:s8], [sflag:$0x5], $0x800, $0x38;
	[tilespmem:$0x1F700] =	vst v63  }
0x193: {  	_ =	swait.ge [sflag:s2], $0x800  }
0x194: {  	[sflag:s2] =	ssyncset.done $0x0  }
0x195: {  	s23 =	rddreg [dreg:$0x17];
	[sflag:s2] =	ssyncadd.s32 $0xFFFFF800  }
0x196: {  	[spmem:s23] =	stream.linear.scatter [tilespmem:s8], [sflag:$0x5], $0x800, $0x38;
	[tilespmem:$0x1F700] =	vst v63  }
0x197: {  	_ =	swait.ge [sflag:s2], $0x800  }
0x198: {  	[sflag:s2] =	ssyncset.done $0x0  }
0x199: {  	[sflag:s2] =	ssyncadd.s32 $0xFFFFF800  }
0x19a: {  	[spmem:s25] =	stream.linear.scatter [tilespmem:s8], [sflag:$0x5], $0x800, $0x38;
	[tilespmem:$0x1F700] =	vst v63  }
0x19b: {  	_ =	swait.ge [sflag:s2], $0x800  }
0x19c: {  	[sflag:s2] =	ssyncset.done $0x0  }
0x19d: {  	[sflag:s2] =	ssyncadd.s32 $0xFFFFF800  }
0x19e: {  	[spmem:s26] =	stream.linear.scatter [tilespmem:s8], [sflag:$0x5], $0x800, $0x38;
	[tilespmem:$0x1F700] =	vst v63  }
0x19f: {  	_ =	swait.ge [sflag:s2], $0x800  }
0x1a0: {  	[sflag:s2] =	ssyncset.done $0x0  }
0x1a1: {  	[sflag:s2] =	ssyncadd.s32 $0xFFFFF800  }
0x1a2: {  	[spmem:s28] =	stream.linear.scatter [tilespmem:s8], [sflag:$0x5], $0x800, $0x38;
	[tilespmem:$0x1F700] =	vst v63  }
0x1a3: {  	_ =	swait.ge [sflag:s2], $0x800  }
0x1a4: {  	[sflag:s2] =	ssyncset.done $0x0  }
0x1a5: {  	[sflag:s2] =	ssyncadd.s32 $0xFFFFF800  }
0x1a6: {  	[spmem:s29] =	stream.linear.scatter [tilespmem:s8], [sflag:$0x5], $0x800, $0x38;
	[tilespmem:$0x1F700] =	vst v63  }
0x1a7: {  	_ =	swait.ge [sflag:s2], $0x800  }
0x1a8: {  	[sflag:s2] =	ssyncset.done $0x0  }
0x1a9: {  	[sflag:s2] =	ssyncadd.s32 $0xFFFFF800  }
0x1aa: {  	[spmem:s30] =	stream.linear.scatter [tilespmem:s8], [sflag:$0x5], $0x800, $0x38;
	[tilespmem:$0x1F700] =	vst v63  }
0x1ab: {  	_ =	swait.ge [sflag:s2], $0x800  }
0x1ac: {  	[sflag:s2] =	ssyncset.done $0x0  }
0x1ad: {  	[sflag:s2] =	ssyncadd.s32 $0xFFFFF800  }
0x1ae: {  	[spmem:s31] =	stream.linear.scatter [tilespmem:s8], [sflag:$0x5], $0x800, $0x38;
	[tilespmem:$0x1F700] =	vst v63  }
0x1af: {  	_ =	swait.ge [sflag:s2], $0x800  }
0x1b0: {  	[sflag:s2] =	ssyncset.done $0x0  }
0x1b1: {  	p0 =	sge.s32 s18, s17;
	[sflag:s2] =	ssyncadd.s32 $0xFFFFF800  }
0x1b2: {  	[spmem:s1] =	stream.linear.scatter [tilespmem:s8], [sflag:$0x5], $0x800, $0x38;
	[tilespmem:$0x1F700] =	vst v63  }
.Ltmp10:
0x1b3: {  	_ =	swait.ge [sflag:s2], $0x800;
	(pc) =	sbr.rel @p0 .LBB2_21-.Ltmp10, $3  }
0x1b4: {  	[sflag:s2] =	ssyncset.done $0x0  }
0x1b5: {  	[sflag:s2] =	ssyncadd.s32 $0xFFFFF800  }
0x1b6: {  	[bflag:$0x0] =	sbarrier.arrive $0xFFFF;
	_ =	sdelay $0x1  }
0x1b7: {  	s22 =	sadd.s32 $0x1, s18  }
0x1b8: {  	p1 =	slt.s32 s22, s17  }
.Ltmp11:
0x1b9: {  	_ = 	snop;
	(pc) =	sbr.rel @!p1 .LBB2_20-.Ltmp11, $4  }
0x1ba: {  	_ = 	snop  }
0x1bb: {  	s21 =	sshll.u32 s18, $0xA  }
0x1bc: {  	s23 =	sshra.s32 s21, $0x2  }
0x1bd: {  	p0 =	por $0x0, $0x0;
	s21 =	sadd.s32 $0x4F80, s23;
	s18 =	sadd.s32 $0x9F80, s23  }
0x1be: {  	s23 =	sadd.s32 $0xFFFFFF80, s21  }
0x1bf: {  	[tilespmem:s11], [sflag:$0x1] =	stream.indirect.gather [hbm4b:s0+s10], $0x80, s23, s10, $0xb8;
	[tilespmem:$0x1F700] =	vst v63  }
0x1c0: {  	_ = 	snop  }
0x1c1: {  	[tilespmem:s12], [sflag:$0x2] =	stream.indirect.gather [hbm4b:s0+s10], $0x80, s21, s10, $0xb8;
	[tilespmem:$0x1F700] =	vst v63  }
0x1c2: {  	_ =	swait.ge [sflag:s9], $0x4000  }
0x1c3: {  	[sflag:s9] =	ssyncset.done $0x0  }
0x1c4: {  	s23 =	sadd.s32 $0xFFFFFF80, s18;
	[sflag:s9] =	ssyncadd.s32 $0xFFFFC000  }
0x1c5: {  	[spmem:s3] =	stream.indirect.scatter.add.f32 [tilespmem:s11], [sflag:$0x3], $0x80, s23, s10, $0xb8;
	[tilespmem:$0x1F700] =	vst v63  }
0x1c6: {  	_ =	swait.ge [sflag:s13], $0x4000  }
0x1c7: {  	s22 =	sadd.s32 $0x1, s22;
	[sflag:s13] =	ssyncset.done $0x0  }
0x1c8: {  	p1 =	slt.s32 s22, s17;
	[sflag:s13] =	ssyncadd.s32 $0xFFFFC000  }
0x1c9: {  	[spmem:s3] =	stream.indirect.scatter.add.f32 [tilespmem:s12], [sflag:$0x4], $0x80, s18, s10, $0xb8;
	[tilespmem:$0x1F700] =	vst v63  }
.Ltmp12:
0x1ca: {  	_ =	swait.ge [sflag:s14], $0x4000;
	(pc) =	sbr.rel @!p1 .LBB2_20-.Ltmp12, $4  }
0x1cb: {  	[sflag:s14] =	ssyncset.done $0x0  }
0x1cc: {  	[sflag:s14] =	ssyncadd.s32 $0xFFFFC000  }
0x1cd: {  	p0 =	por $0x1, $0x1;
	_ =	swait.ge [sflag:s15], $0x4000  }
0x1ce: {  	s21 =	sadd.s32 $0x100, s21;
	s18 =	sadd.s32 $0x100, s18;
	[sflag:s15] =	ssyncset.done $0x0  }
.LBB2_19:
0x1cf: {  	s22 =	sadd.s32 $0x1, s22;
	s23 =	sadd.s32 $0xFFFFFF80, s21;
	[sflag:s15] =	ssyncadd.s32 $0xFFFFC000  }
0x1d0: {  	[tilespmem:s11], [sflag:$0x1] =	stream.indirect.gather [hbm4b:s0+s10], $0x80, s23, s10, $0xb8;
	[tilespmem:$0x1F700] =	vst v63  }
0x1d1: {  	p1 =	slt.s32 s22, s17  }
0x1d2: {  	[tilespmem:s12], [sflag:$0x2] =	stream.indirect.gather [hbm4b:s0+s10], $0x80, s21, s10, $0xb8;
	[tilespmem:$0x1F700] =	vst v63  }
0x1d3: {  	_ =	swait.ge [sflag:s9], $0x4000  }
0x1d4: {  	[sflag:s9] =	ssyncset.done $0x0  }
0x1d5: {  	s23 =	sadd.s32 $0xFFFFFF80, s18;
	[sflag:s9] =	ssyncadd.s32 $0xFFFFC000  }
0x1d6: {  	[spmem:s3] =	stream.indirect.scatter.add.f32 [tilespmem:s11], [sflag:$0x3], $0x80, s23, s10, $0xb8;
	[tilespmem:$0x1F700] =	vst v63  }
0x1d7: {  	_ =	swait.ge [sflag:s13], $0x4000  }
0x1d8: {  	[sflag:s13] =	ssyncset.done $0x0  }
0x1d9: {  	[sflag:s13] =	ssyncadd.s32 $0xFFFFC000  }
0x1da: {  	[spmem:s3] =	stream.indirect.scatter.add.f32 [tilespmem:s12], [sflag:$0x4], $0x80, s18, s10, $0xb8;
	[tilespmem:$0x1F700] =	vst v63  }
.Ltmp13:
0x1db: {  	_ =	swait.ge [sflag:s14], $0x4000;
	(pc) =	sbr.rel @p1 .LBB2_19-.Ltmp13, $4  }
0x1dc: {  	[sflag:s14] =	ssyncset.done $0x0  }
0x1dd: {  	[sflag:s14] =	ssyncadd.s32 $0xFFFFC000  }
0x1de: {  	_ =	swait.ge [sflag:s15], $0x4000  }
0x1df: {  	s21 =	sadd.s32 $0x100, s21;
	s18 =	sadd.s32 $0x100, s18;
	[sflag:s15] =	ssyncset.done $0x0  }
.Ltmp14:
0x1e0: {  	_ = 	snop;
	(pc) =	sbr.rel .LBB2_20-.Ltmp14, $1  }
0x1e1: {  	_ =	sdelay $0x3  }
.LBB2_11:
.Ltmp15:
0x1e2: {  	(pc) =	sbr.rel .LBB2_15-.Ltmp15, $2  }
0x1e3: {  	_ =	sdelay $0x2  }
0x1e4: {  	s21 =	simm.s32 $0x7780  }
.LBB2_13:
.Ltmp16:
0x1e5: {  	(pc) =	sbr.rel .LBB2_15-.Ltmp16, $2  }
0x1e6: {  	_ =	sdelay $0x2  }
0x1e7: {  	s21 =	simm.s32 $0x7780  }
.LBB2_22:
0x1e8: {  	_ =	sfence.sel $0x180000  }
0x1e9: {  	[bflag:$0x0] =	sbarrier.arrive $0xFFFF  }
0x1ea: {  	_ =	strace $0x90000047  }
0x1eb: {  	s0 =	stileid.u32;
	[bflag:$0x2] =	sbarrier.arrive $0xFFFF  }
0x1ec: {  	p0 =	sne.s32 s0, $0x0;
	s0 =	rddreg [dreg:$0x5]  }
0x1ed: {  	s0 =	sadd.s32 @!p0 $0x100000, s0  }
0x1ee: {  	[sflag:s0] =	ssyncadd.tile.s32 @!p0 $0x1;
	_ =	shalt  }
.Lfunc_end2:
_tile_overlayer_lowered:
.L_overlay_start_2:
0x1ef: {  	(tag) =	ssettag $0x2  }
0x1f0: {  	s0 =	rddreg [dreg:$0x0];
	s2 =	stileid.u32  }
0x1f1: {  	s1 =	rddreg [dreg:$0x1];
	p0 =	sne.s32 s2, $0x0  }
0x1f2: {  	s3 =	rddreg [dreg:$0x2];
	[bflag:$0x3] =	sbarrier.arrive $0xFFFF;
	s2 =	simm.s32 @!p0 $0x1C05  }
0x1f3: {  	[timem:s3], [sflag:s2] =	dma.local @!p0 [hbm:s0], s1  }
0x1f4: {  	s0 =	simm.s32 @!p0 $0x5  }
0x1f5: {  	_ =	swait.ge @!p0 [sflag:s0], s1  }
0x1f6: {  	s1 =	ssub.s32 @!p0 $0x0, s1;
	[sflag:s0] =	ssyncset.done @!p0 $0x0  }
0x1f7: {  	[sflag:s0] =	ssyncadd.s32 @!p0 s1  }
0x1f8: {  	[bflag:$0x3] =	sbarrier.arrive $0xFFFF  }
0x1f9: {  	_ =	shalt  }

</sc_bundles>
